<compile_context>
chip_gen: v7x
topology: tpu7x:2x2x1
jax: 0.10.2.dev20260603
libtpu: 0.0.44.dev20260713+nightly
codegen_flags: <defaults>
</compile_context>

<pallas_src>
import functools

import jax
import jax.numpy as jnp
from jax import lax
from jax.experimental import pallas as pl
from jax.experimental.pallas import tpu as pltpu
from jax.experimental.pallas import tpu_sc as plsc

HIDDEN = 1024
MOE_INTER = 512
N_EXPERTS = 8
TOP_K = 2
N_GROUP = 4
TOPK_GROUP = 2
EPG = N_EXPERTS // N_GROUP
SHARED_INTER = 1024
ROUTED_SCALING = 2.5

T_TOKENS = 4096
TILE = 256
NP = TOP_K * T_TOKENS + N_EXPERTS * TILE
NUM_TILES = NP // TILE

RB = 512
N_RB = T_TOKENS // RB

SH_TILE = 512


def _routing_block(scores, e_bias):
    sb = scores + e_bias

    gs = jnp.concatenate(
        [sb[:, g * EPG:g * EPG + 1] + sb[:, g * EPG + 1:g * EPG + 2]
         for g in range(N_GROUP)], axis=1)
    grank = jnp.zeros((RB, N_GROUP), jnp.int32)
    for j in range(N_GROUP):
        gj = gs[:, j:j + 1]
        gt = (gj > gs).astype(jnp.int32)
        geq = (gj == gs).astype(jnp.int32)
        jlt = (jnp.arange(N_GROUP)[None, :] > j).astype(jnp.int32)
        grank = grank + gt + geq * jlt
    keep_g = (grank < TOPK_GROUP).astype(jnp.float32)
    keep_e = jnp.concatenate(
        [keep_g[:, g:g + 1] for g in range(N_GROUP) for _ in range(EPG)],
        axis=1)

    masked = sb * keep_e
    erank = jnp.zeros((RB, N_EXPERTS), jnp.int32)
    for j in range(N_EXPERTS):
        mj = masked[:, j:j + 1]
        gt = (mj > masked).astype(jnp.int32)
        geq = (mj == masked).astype(jnp.int32)
        jlt = (jnp.arange(N_EXPERTS)[None, :] > j).astype(jnp.int32)
        erank = erank + gt + geq * jlt
    sel0 = (erank == 0).astype(jnp.float32)
    sel1 = (erank == 1).astype(jnp.float32)

    w0 = jnp.sum(sel0 * scores, axis=1, keepdims=True)
    w1 = jnp.sum(sel1 * scores, axis=1, keepdims=True)
    norm = ROUTED_SCALING / (w0 + w1)
    return sel0, sel1, w0 * norm, w1 * norm


def _routing_body(s_ref, eb_ref, tri_ref, dst_ref, w_ref, seg_ref,
                  carry_ref, pad_ref):
    p = pl.program_id(0)
    i = pl.program_id(1)

    @pl.when(jnp.logical_and(p == 0, i == 0))
    def _init():
        carry_ref[...] = jnp.zeros_like(carry_ref)

    sel0, sel1, w0, w1 = _routing_block(s_ref[...], eb_ref[...])
    csel = sel0 + sel1

    @pl.when(p == 0)
    def _count():
        carry_ref[...] = carry_ref[...] + jnp.sum(csel, axis=0,
                                                  keepdims=True)

        @pl.when(i == N_RB - 1)
        def _offsets():
            counts = carry_ref[...]
            tiles = jnp.ceil(counts / TILE)
            e_ids = jnp.arange(N_EXPERTS)
            upper = (e_ids[:, None] < e_ids[None, :]).astype(jnp.float32)
            pad_ref[...] = jnp.dot(tiles, upper) * TILE
            seg_ref[0:1, :] = pad_ref[...]
            seg_ref[1:2, :] = pad_ref[...] + counts
            carry_ref[...] = jnp.zeros_like(carry_ref)

    @pl.when(p == 1)
    def _emit():
        pre = jnp.dot(tri_ref[...], csel) + carry_ref[...]
        base = pad_ref[...] + pre
        dst0 = jnp.sum(sel0 * base, axis=1, keepdims=True)
        dst1 = jnp.sum(sel1 * base, axis=1, keepdims=True)
        dst_ref[...] = jnp.concatenate(
            [dst0, dst1], axis=1).astype(jnp.int32)
        w_ref[...] = jnp.concatenate([w0, w1], axis=1)
        carry_ref[...] = carry_ref[...] + jnp.sum(csel, axis=0,
                                                  keepdims=True)


def _routing_dispatch(scores, e_bias):
    return pl.pallas_call(
        _routing_body,
        grid=(2, N_RB),
        in_specs=[
            pl.BlockSpec((RB, N_EXPERTS), lambda p, i: (i, 0)),
            pl.BlockSpec((1, N_EXPERTS), lambda p, i: (0, 0)),
            pl.BlockSpec((RB, RB), lambda p, i: (0, 0)),
        ],
        out_specs=[
            pl.BlockSpec((RB, TOP_K), lambda p, i: (p * N_RB + i, 0)),
            pl.BlockSpec((RB, TOP_K), lambda p, i: (p * N_RB + i, 0)),
            pl.BlockSpec((2, N_EXPERTS), lambda p, i: (0, 0)),
        ],
        out_shape=[
            jax.ShapeDtypeStruct((2 * T_TOKENS, TOP_K), jnp.int32),
            jax.ShapeDtypeStruct((2 * T_TOKENS, TOP_K), jnp.float32),
            jax.ShapeDtypeStruct((2, N_EXPERTS), jnp.float32),
        ],
        scratch_shapes=[
            pltpu.VMEM((1, N_EXPERTS), jnp.float32),
            pltpu.VMEM((1, N_EXPERTS), jnp.float32),
        ],
    )(scores, e_bias.reshape(1, N_EXPERTS),
      jnp.tril(jnp.ones((RB, RB), jnp.float32), -1))


def _grouped_mlp_body(te_ref, x_ref, g_ref, u_ref, d_ref, y_ref):
    x = x_ref[...].astype(jnp.bfloat16)
    gate = jnp.dot(x, g_ref[0], preferred_element_type=jnp.float32)
    up = jnp.dot(x, u_ref[0], preferred_element_type=jnp.float32)
    act = (gate * jax.nn.sigmoid(gate)) * up
    y_ref[...] = jnp.dot(act.astype(jnp.bfloat16), d_ref[0],
                         preferred_element_type=jnp.float32)


def _grouped_mlp(tile_expert, x_disp, gate_w, up_w, down_w):
    grid_spec = pltpu.PrefetchScalarGridSpec(
        num_scalar_prefetch=1,
        grid=(NUM_TILES,),
        in_specs=[
            pl.BlockSpec((TILE, HIDDEN), lambda i, te: (i, 0)),
            pl.BlockSpec((1, HIDDEN, MOE_INTER), lambda i, te: (te[i], 0, 0)),
            pl.BlockSpec((1, HIDDEN, MOE_INTER), lambda i, te: (te[i], 0, 0)),
            pl.BlockSpec((1, MOE_INTER, HIDDEN), lambda i, te: (te[i], 0, 0)),
        ],
        out_specs=pl.BlockSpec((TILE, HIDDEN), lambda i, te: (i, 0)),
    )
    return pl.pallas_call(
        _grouped_mlp_body,
        grid_spec=grid_spec,
        out_shape=jax.ShapeDtypeStruct((NP, HIDDEN), jnp.float32),
    )(tile_expert, x_disp, gate_w, up_w, down_w)


def _shared_mlp_body(x_ref, g_ref, u_ref, d_ref, y0_ref, y1_ref, w_ref,
                     o_ref):
    x = x_ref[...]
    gate = jnp.dot(x, g_ref[...], preferred_element_type=jnp.float32)
    up = jnp.dot(x, u_ref[...], preferred_element_type=jnp.float32)
    act = (gate * jax.nn.sigmoid(gate)) * up
    sh = jnp.dot(act.astype(jnp.bfloat16), d_ref[...],
                 preferred_element_type=jnp.float32)
    o_ref[...] = (sh
                  + w_ref[:, 0:1] * y0_ref[...]
                  + w_ref[:, 1:2] * y1_ref[...])


def _shared_mlp_combine(x, sgw, suw, sdw, y0, y1, w2):
    t = x.shape[0]
    return pl.pallas_call(
        _shared_mlp_body,
        grid=(t // SH_TILE,),
        in_specs=[
            pl.BlockSpec((SH_TILE, HIDDEN), lambda i: (i, 0)),
            pl.BlockSpec((HIDDEN, SHARED_INTER), lambda i: (0, 0)),
            pl.BlockSpec((HIDDEN, SHARED_INTER), lambda i: (0, 0)),
            pl.BlockSpec((SHARED_INTER, HIDDEN), lambda i: (0, 0)),
            pl.BlockSpec((SH_TILE, HIDDEN), lambda i: (i, 0)),
            pl.BlockSpec((SH_TILE, HIDDEN), lambda i: (i, 0)),
            pl.BlockSpec((SH_TILE, TOP_K), lambda i: (i, 0)),
        ],
        out_specs=pl.BlockSpec((SH_TILE, HIDDEN), lambda i: (i, 0)),
        out_shape=jax.ShapeDtypeStruct((t, HIDDEN), jnp.float32),
    )(x, sgw, suw, sdw, y0, y1, w2)


SC_NW = 32
SC_TPW = T_TOKENS // SC_NW
SC_CHUNK = 64
SC_NCHUNK = SC_TPW // SC_CHUNK


def _sc_dispatch(flat, d0, d1):
    mesh = plsc.VectorSubcoreMesh(core_axis_name="c", subcore_axis_name="s")

    @functools.partial(
        pl.kernel, mesh=mesh,
        out_type=jax.ShapeDtypeStruct((NP, HIDDEN), jnp.float32),
        scratch_types=[
            pltpu.VMEM((SC_CHUNK,), jnp.int32),
            pltpu.VMEM((SC_CHUNK,), jnp.int32),
            pltpu.VMEM((SC_CHUNK, HIDDEN), jnp.float32),
            pltpu.SemaphoreType.DMA,
        ],
    )
    def k(flat_hbm, d0_hbm, d1_hbm, out_hbm, d0_v, d1_v, rows_v, sem):
        wid = lax.axis_index("s") * 2 + lax.axis_index("c")
        for c in range(SC_NCHUNK):
            base = wid * SC_TPW + c * SC_CHUNK
            pltpu.sync_copy(flat_hbm.at[pl.ds(base, SC_CHUNK)], rows_v)
            pltpu.sync_copy(d0_hbm.at[wid, c], d0_v)
            pltpu.sync_copy(d1_hbm.at[wid, c], d1_v)
            h1 = pltpu.async_copy(rows_v, out_hbm.at[d0_v], sem)
            h2 = pltpu.async_copy(rows_v, out_hbm.at[d1_v], sem)
            h1.wait()
            h2.wait()

    return k(flat, d0, d1)


def _sc_combine_gather(y, d0, d1):
    mesh = plsc.VectorSubcoreMesh(core_axis_name="c", subcore_axis_name="s")

    @functools.partial(
        pl.kernel, mesh=mesh,
        out_type=(jax.ShapeDtypeStruct((T_TOKENS, HIDDEN), jnp.float32),
                  jax.ShapeDtypeStruct((T_TOKENS, HIDDEN), jnp.float32)),
        scratch_types=[
            pltpu.VMEM((SC_TPW,), jnp.int32),
            pltpu.VMEM((SC_TPW,), jnp.int32),
            pltpu.VMEM((SC_CHUNK, HIDDEN), jnp.float32),
            pltpu.SemaphoreType.DMA,
        ],
    )
    def k(y_hbm, d0_hbm, d1_hbm, o0_hbm, o1_hbm, d0_v, d1_v, buf_v, sem):
        wid = lax.axis_index("s") * 2 + lax.axis_index("c")
        pltpu.sync_copy(d0_hbm.at[wid], d0_v)
        pltpu.sync_copy(d1_hbm.at[wid], d1_v)
        for c in range(SC_NCHUNK):
            base = wid * SC_TPW + c * SC_CHUNK
            sl = pl.ds(c * SC_CHUNK, SC_CHUNK)
            pltpu.async_copy(y_hbm.at[d0_v.at[sl]], buf_v, sem).wait()
            pltpu.sync_copy(buf_v, o0_hbm.at[pl.ds(base, SC_CHUNK)])
            pltpu.async_copy(y_hbm.at[d1_v.at[sl]], buf_v, sem).wait()
            pltpu.sync_copy(buf_v, o1_hbm.at[pl.ds(base, SC_CHUNK)])

    return k(y, d0, d1)


def kernel(hidden_states, router_weight, e_score_correction_bias, gate_w,
           up_w, down_w, shared_gate_w, shared_up_w, shared_down_w):
    bh, sh, h = hidden_states.shape
    t = bh * sh
    flat = hidden_states.reshape(t, h)
    flat_bf = flat.astype(jnp.bfloat16)

    scores = jax.nn.sigmoid(flat @ router_weight)
    dst_full, w_full, seg = _routing_dispatch(scores,
                                              e_score_correction_bias)
    dst = dst_full[T_TOKENS:]
    w2 = w_full[T_TOKENS:]

    seg_start_tiles = (seg[0].astype(jnp.int32)) // TILE
    tile_ids = jnp.arange(NUM_TILES, dtype=jnp.int32)
    tile_expert = jnp.sum(
        (tile_ids[:, None] >= seg_start_tiles[None, 1:]).astype(jnp.int32),
        axis=1)

    d0 = dst[:, 0].reshape(SC_NW, SC_NCHUNK, SC_CHUNK)
    d1 = dst[:, 1].reshape(SC_NW, SC_NCHUNK, SC_CHUNK)
    x_disp = _sc_dispatch(flat, d0, d1)

    y = _grouped_mlp(tile_expert, x_disp, gate_w.astype(jnp.bfloat16),
                     up_w.astype(jnp.bfloat16), down_w.astype(jnp.bfloat16))

    y0, y1 = _sc_combine_gather(
        y, dst[:, 0].reshape(SC_NW, SC_TPW), dst[:, 1].reshape(SC_NW, SC_TPW))
    out = _shared_mlp_combine(flat_bf, shared_gate_w.astype(jnp.bfloat16),
                              shared_up_w.astype(jnp.bfloat16),
                              shared_down_w.astype(jnp.bfloat16),
                              y0, y1, w2)
    return out.reshape(bh, sh, h)

# --- scband reference (transcript-rebuilt; emitter-appended) ---
"""Pipeline reference for scband-deepseek-v3-mo-e-88630945120717 (READ-ONLY COPY).

The authoritative reference and input builder live on the scoring server;
editing this copy changes nothing except your own understanding.
"""

import jax, jax.numpy as jnp
import numpy as np

HIDDEN = 1024
MOE_INTER = 512
N_EXPERTS = 8
TOP_K = 2
N_GROUP = 4
TOPK_GROUP = 2
N_SHARED = 2
SHARED_INTER = MOE_INTER * N_SHARED
ROUTED_SCALING = 2.5
B, S = 2, 2048


def _silu(x):
    return x * jax.nn.sigmoid(x)


def setup_inputs(seed: int = 0):
    key = jax.random.key(seed)
    ks = jax.random.split(key, 9)

    def init(k, shape, fan_in):
        return jax.random.normal(k, shape, dtype=jnp.float32) / np.sqrt(fan_in)

    return {
        'hidden_states': jax.random.normal(ks[0], (B, S, HIDDEN), dtype=jnp.float32),
        'router_weight': init(ks[1], (HIDDEN, N_EXPERTS), HIDDEN),
        'e_score_correction_bias': jnp.zeros((N_EXPERTS,), dtype=jnp.float32),
        'gate_w': init(ks[2], (N_EXPERTS, HIDDEN, MOE_INTER), HIDDEN),
        'up_w': init(ks[3], (N_EXPERTS, HIDDEN, MOE_INTER), HIDDEN),
        'down_w': init(ks[4], (N_EXPERTS, MOE_INTER, HIDDEN), MOE_INTER),
        'shared_gate_w': init(ks[5], (HIDDEN, SHARED_INTER), HIDDEN),
        'shared_up_w': init(ks[6], (HIDDEN, SHARED_INTER), HIDDEN),
        'shared_down_w': init(ks[7], (SHARED_INTER, HIDDEN), SHARED_INTER),
    }


def _compute_routing(router_logits, e_bias):
    T, nE = router_logits.shape
    scores = jax.nn.sigmoid(router_logits)
    scores_with_bias = scores + e_bias
    experts_per_group = nE // N_GROUP
    scores_grouped = scores_with_bias.reshape(T, N_GROUP, experts_per_group)
    top2, _ = jax.lax.top_k(scores_grouped, 2)
    group_scores = jnp.sum(top2, axis=-1)
    _, top_group_indices = jax.lax.top_k(group_scores, TOPK_GROUP)
    mask = jnp.ones((T, N_GROUP), dtype=bool)
    batch_indices = jnp.arange(T)[:, None]
    mask = mask.at[batch_indices, top_group_indices].set(False)
    mask = jnp.broadcast_to(mask[:, :, None], scores_grouped.shape)
    masked_scores = jnp.where(mask, 0.0, scores_grouped).reshape(T, nE)
    _, top_k_index = jax.lax.top_k(masked_scores, TOP_K)
    top_k_weights = jnp.take_along_axis(scores, top_k_index, axis=-1)
    top_k_weights = top_k_weights / jnp.sum(top_k_weights, axis=-1, keepdims=True)
    top_k_weights = top_k_weights * ROUTED_SCALING
    return top_k_weights, top_k_index


def _forward(hidden_states, router_weight, e_bias, gate_w, up_w, down_w, sgw, suw, sdw):
    Bh, Sh, H = hidden_states.shape
    flat = hidden_states.reshape(-1, H)
    router_logits = flat.astype(jnp.float32) @ router_weight.astype(jnp.float32)
    top_k_weights, top_k_index = _compute_routing(router_logits, e_bias)
    T = flat.shape[0]
    # combine weights: combine[t, e] = routing weight of expert e for token t (0 if not selected)
    combine = jnp.zeros((T, N_EXPERTS), dtype=flat.dtype)
    combine = combine.at[jnp.arange(T)[:, None], top_k_index].add(top_k_weights.astype(flat.dtype))
    # grouped expert MLPs (dense dispatch formulation; same math as sorted grouped matmul)
    gate = jnp.einsum('th,ehf->etf', flat, gate_w)
    up = jnp.einsum('th,ehf->etf', flat, up_w)
    y = jnp.einsum('etf,efh->eth', _silu(gate) * up, down_w)
    expert_out = jnp.einsum('te,eth->th', combine, y)
    # shared experts MLP
    shared_out = (_silu(flat @ sgw) * (flat @ suw)) @ sdw
    return (expert_out + shared_out).reshape(Bh, Sh, H)


def reference(hidden_states, router_weight, e_score_correction_bias, gate_w, up_w, down_w, shared_gate_w, shared_up_w, shared_down_w):
    return _forward(hidden_states, router_weight, e_score_correction_bias, gate_w, up_w, down_w, shared_gate_w, shared_up_w, shared_down_w)

if __name__ == "__main__":
    import jax
    _d = setup_inputs()
    print(jax.jit(kernel)(*tuple(_d.values())))

</pallas_src>

<mosaic_0001>
#map = affine_map<(d0, d1) -> (0, 0)>
#map1 = affine_map<(d0, d1) -> (0, 0, 0)>
module attributes {stable_mosaic.version = 14 : i64} {
  func.func @k(%arg0: i32, %arg1: i32, %arg2: memref<4096x1024xf32, #tpu.memory_space<hbm>>, %arg3: memref<32x2x64xi32, #tpu.memory_space<hbm>>, %arg4: memref<32x2x64xi32, #tpu.memory_space<hbm>>, %arg5: memref<10240x1024xf32, #tpu.memory_space<hbm>>, %arg6: memref<64xi32, #tpu.memory_space<vmem>>, %arg7: memref<64xi32, #tpu.memory_space<vmem>>, %arg8: memref<64x1024xf32, #tpu.memory_space<vmem>>, %arg9: memref<!tpu.dma_semaphore, #tpu.memory_space<semaphore_mem>>) attributes {dimension_semantics = [#tpu.dimension_semantics<core_parallel>, #tpu.dimension_semantics<subcore_parallel>], iteration_bounds = array<i64: 2, 16>, scalar_prefetch = 0 : i64, scratch_operands = 4 : i64, tpu.core_type = #tpu.core_type<sc_vector_subcore>, window_params = [{transform_indices = #map}, {transform_indices = #map1}, {transform_indices = #map1}, {transform_indices = #map}]} {
    %mul3A = arith.constant 2 : i32
    %mul3A_0 = arith.muli %arg1, %mul3A : i32
    %add3A = arith.addi %mul3A_0, %arg0 : i32
    %mul3A_1 = arith.constant 128 : i32
    %mul3A_2 = arith.muli %add3A, %mul3A_1 : i32
    %add3A_3 = arith.constant 0 : i32
    %add3A_4 = arith.addi %mul3A_2, %add3A_3 : i32
    "tpu.region"() ({
      %run_scoped3A_34 = tpu.sem_alloc : memref<!tpu.dma_semaphore, #tpu.memory_space<semaphore_mem>>
      %dma_start3A_35 = arith.constant 0 : i32
      %dma_start3A_36 = tpu.memref_slice %arg2[%add3A_4, %dma_start3A_35] : memref<4096x1024xf32, #tpu.memory_space<hbm>> -> memref<64x1024xf32, #tpu.memory_space<hbm>>
      %dma_start3A_37 = arith.constant 0 : i32
      %dma_start3A_38 = tpu.memref_slice %arg2[%add3A_4, %dma_start3A_37] : memref<4096x1024xf32, #tpu.memory_space<hbm>> -> memref<64x1024xf32, #tpu.memory_space<hbm>>
      tpu.enqueue_dma source(%dma_start3A_38 : memref<64x1024xf32, #tpu.memory_space<hbm>>) target(%arg8 : memref<64x1024xf32, #tpu.memory_space<vmem>>) target_semaphore(%run_scoped3A_34 : memref<!tpu.dma_semaphore, #tpu.memory_space<semaphore_mem>>)
      %dma_wait3A_39 = arith.constant 0 : i32
      %dma_wait3A_40 = tpu.memref_slice %arg2[%add3A_4, %dma_wait3A_39] : memref<4096x1024xf32, #tpu.memory_space<hbm>> -> memref<64x1024xf32, #tpu.memory_space<hbm>>
      %dma_wait3A_41 = arith.constant 0 : i32
      %dma_wait3A_42 = tpu.memref_slice %arg2[%add3A_4, %dma_wait3A_41] : memref<4096x1024xf32, #tpu.memory_space<hbm>> -> memref<64x1024xf32, #tpu.memory_space<hbm>>
      tpu.wait_dma2 semaphore(%run_scoped3A_34 : memref<!tpu.dma_semaphore, #tpu.memory_space<semaphore_mem>>) src(%dma_wait3A_42 : memref<64x1024xf32, #tpu.memory_space<hbm>>) dst(%arg8 : memref<64x1024xf32, #tpu.memory_space<vmem>>)
      tpu.yield
    }) : () -> ()
    %run_scoped3A = arith.constant 0 : i32
    "tpu.region"() ({
      %run_scoped3A_34 = tpu.sem_alloc : memref<!tpu.dma_semaphore, #tpu.memory_space<semaphore_mem>>
      %dma_start3A_35 = arith.constant 0 : i32
      %dma_start3A_36 = tpu.memref_slice %arg3[%add3A, %run_scoped3A, %dma_start3A_35] : memref<32x2x64xi32, #tpu.memory_space<hbm>> -> memref<1x1x64xi32, #tpu.memory_space<hbm>>
      %dma_start3A_37 = tpu.memref_squeeze %dma_start3A_36 : memref<1x1x64xi32, #tpu.memory_space<hbm>> -> memref<64xi32, #tpu.memory_space<hbm>>
      %dma_start3A_38 = arith.constant 0 : i32
      %dma_start3A_39 = tpu.memref_slice %arg3[%add3A, %run_scoped3A, %dma_start3A_38] : memref<32x2x64xi32, #tpu.memory_space<hbm>> -> memref<1x1x64xi32, #tpu.memory_space<hbm>>
      %dma_start3A_40 = tpu.memref_squeeze %dma_start3A_39 : memref<1x1x64xi32, #tpu.memory_space<hbm>> -> memref<64xi32, #tpu.memory_space<hbm>>
      tpu.enqueue_dma source(%dma_start3A_40 : memref<64xi32, #tpu.memory_space<hbm>>) target(%arg6 : memref<64xi32, #tpu.memory_space<vmem>>) target_semaphore(%run_scoped3A_34 : memref<!tpu.dma_semaphore, #tpu.memory_space<semaphore_mem>>)
      %dma_wait3A_41 = arith.constant 0 : i32
      %dma_wait3A_42 = tpu.memref_slice %arg3[%add3A, %run_scoped3A, %dma_wait3A_41] : memref<32x2x64xi32, #tpu.memory_space<hbm>> -> memref<1x1x64xi32, #tpu.memory_space<hbm>>
      %dma_wait3A_43 = tpu.memref_squeeze %dma_wait3A_42 : memref<1x1x64xi32, #tpu.memory_space<hbm>> -> memref<64xi32, #tpu.memory_space<hbm>>
      %dma_wait3A_44 = arith.constant 0 : i32
      %dma_wait3A_45 = tpu.memref_slice %arg3[%add3A, %run_scoped3A, %dma_wait3A_44] : memref<32x2x64xi32, #tpu.memory_space<hbm>> -> memref<1x1x64xi32, #tpu.memory_space<hbm>>
      %dma_wait3A_46 = tpu.memref_squeeze %dma_wait3A_45 : memref<1x1x64xi32, #tpu.memory_space<hbm>> -> memref<64xi32, #tpu.memory_space<hbm>>
      tpu.wait_dma2 semaphore(%run_scoped3A_34 : memref<!tpu.dma_semaphore, #tpu.memory_space<semaphore_mem>>) src(%dma_wait3A_46 : memref<64xi32, #tpu.memory_space<hbm>>) dst(%arg6 : memref<64xi32, #tpu.memory_space<vmem>>)
      tpu.yield
    }) : () -> ()
    %run_scoped3A_5 = arith.constant 0 : i32
    "tpu.region"() ({
      %run_scoped3A_34 = tpu.sem_alloc : memref<!tpu.dma_semaphore, #tpu.memory_space<semaphore_mem>>
      %dma_start3A_35 = arith.constant 0 : i32
      %dma_start3A_36 = tpu.memref_slice %arg4[%add3A, %run_scoped3A_5, %dma_start3A_35] : memref<32x2x64xi32, #tpu.memory_space<hbm>> -> memref<1x1x64xi32, #tpu.memory_space<hbm>>
      %dma_start3A_37 = tpu.memref_squeeze %dma_start3A_36 : memref<1x1x64xi32, #tpu.memory_space<hbm>> -> memref<64xi32, #tpu.memory_space<hbm>>
      %dma_start3A_38 = arith.constant 0 : i32
      %dma_start3A_39 = tpu.memref_slice %arg4[%add3A, %run_scoped3A_5, %dma_start3A_38] : memref<32x2x64xi32, #tpu.memory_space<hbm>> -> memref<1x1x64xi32, #tpu.memory_space<hbm>>
      %dma_start3A_40 = tpu.memref_squeeze %dma_start3A_39 : memref<1x1x64xi32, #tpu.memory_space<hbm>> -> memref<64xi32, #tpu.memory_space<hbm>>
      tpu.enqueue_dma source(%dma_start3A_40 : memref<64xi32, #tpu.memory_space<hbm>>) target(%arg7 : memref<64xi32, #tpu.memory_space<vmem>>) target_semaphore(%run_scoped3A_34 : memref<!tpu.dma_semaphore, #tpu.memory_space<semaphore_mem>>)
      %dma_wait3A_41 = arith.constant 0 : i32
      %dma_wait3A_42 = tpu.memref_slice %arg4[%add3A, %run_scoped3A_5, %dma_wait3A_41] : memref<32x2x64xi32, #tpu.memory_space<hbm>> -> memref<1x1x64xi32, #tpu.memory_space<hbm>>
      %dma_wait3A_43 = tpu.memref_squeeze %dma_wait3A_42 : memref<1x1x64xi32, #tpu.memory_space<hbm>> -> memref<64xi32, #tpu.memory_space<hbm>>
      %dma_wait3A_44 = arith.constant 0 : i32
      %dma_wait3A_45 = tpu.memref_slice %arg4[%add3A, %run_scoped3A_5, %dma_wait3A_44] : memref<32x2x64xi32, #tpu.memory_space<hbm>> -> memref<1x1x64xi32, #tpu.memory_space<hbm>>
      %dma_wait3A_46 = tpu.memref_squeeze %dma_wait3A_45 : memref<1x1x64xi32, #tpu.memory_space<hbm>> -> memref<64xi32, #tpu.memory_space<hbm>>
      tpu.wait_dma2 semaphore(%run_scoped3A_34 : memref<!tpu.dma_semaphore, #tpu.memory_space<semaphore_mem>>) src(%dma_wait3A_46 : memref<64xi32, #tpu.memory_space<hbm>>) dst(%arg7 : memref<64xi32, #tpu.memory_space<vmem>>)
      tpu.yield
    }) : () -> ()
    %dma_start3A = arith.constant 0 : i32
    %dma_start3A_6 = arith.constant 0 : i32
    %dma_start3A_7 = tpu.memref_slice %arg5[%dma_start3A, %dma_start3A_6] : memref<10240x1024xf32, #tpu.memory_space<hbm>> -> memref<10240x1024xf32, #tpu.memory_space<hbm>>
    tpu.enqueue_indirect_dma source(%arg8 : memref<64x1024xf32, #tpu.memory_space<vmem>>) target(%dma_start3A_7 : memref<10240x1024xf32, #tpu.memory_space<hbm>>) offsets(%arg6 : memref<64xi32, #tpu.memory_space<vmem>>) semaphore(%arg9 : memref<!tpu.dma_semaphore, #tpu.memory_space<semaphore_mem>>)
    %dma_start3A_8 = arith.constant 0 : i32
    %dma_start3A_9 = arith.constant 0 : i32
    %dma_start3A_10 = tpu.memref_slice %arg5[%dma_start3A_8, %dma_start3A_9] : memref<10240x1024xf32, #tpu.memory_space<hbm>> -> memref<10240x1024xf32, #tpu.memory_space<hbm>>
    tpu.enqueue_indirect_dma source(%arg8 : memref<64x1024xf32, #tpu.memory_space<vmem>>) target(%dma_start3A_10 : memref<10240x1024xf32, #tpu.memory_space<hbm>>) offsets(%arg7 : memref<64xi32, #tpu.memory_space<vmem>>) semaphore(%arg9 : memref<!tpu.dma_semaphore, #tpu.memory_space<semaphore_mem>>)
    %dma_wait3A = arith.constant 0 : i32
    %dma_wait3A_11 = arith.constant 0 : i32
    %dma_wait3A_12 = tpu.memref_slice %arg5[%dma_wait3A, %dma_wait3A_11] : memref<10240x1024xf32, #tpu.memory_space<hbm>> -> memref<10240x1024xf32, #tpu.memory_space<hbm>>
    tpu.wait_indirect_dma semaphore(%arg9 : memref<!tpu.dma_semaphore, #tpu.memory_space<semaphore_mem>>) src(%arg8 : memref<64x1024xf32, #tpu.memory_space<vmem>>) dst(%dma_wait3A_12 : memref<10240x1024xf32, #tpu.memory_space<hbm>>)
    %dma_wait3A_13 = arith.constant 0 : i32
    %dma_wait3A_14 = arith.constant 0 : i32
    %dma_wait3A_15 = tpu.memref_slice %arg5[%dma_wait3A_13, %dma_wait3A_14] : memref<10240x1024xf32, #tpu.memory_space<hbm>> -> memref<10240x1024xf32, #tpu.memory_space<hbm>>
    tpu.wait_indirect_dma semaphore(%arg9 : memref<!tpu.dma_semaphore, #tpu.memory_space<semaphore_mem>>) src(%arg8 : memref<64x1024xf32, #tpu.memory_space<vmem>>) dst(%dma_wait3A_15 : memref<10240x1024xf32, #tpu.memory_space<hbm>>)
    %mul3A_16 = arith.constant 128 : i32
    %mul3A_17 = arith.muli %add3A, %mul3A_16 : i32
    %add3A_18 = arith.constant 64 : i32
    %add3A_19 = arith.addi %mul3A_17, %add3A_18 : i32
    "tpu.region"() ({
      %run_scoped3A_34 = tpu.sem_alloc : memref<!tpu.dma_semaphore, #tpu.memory_space<semaphore_mem>>
      %dma_start3A_35 = arith.constant 0 : i32
      %dma_start3A_36 = tpu.memref_slice %arg2[%add3A_19, %dma_start3A_35] : memref<4096x1024xf32, #tpu.memory_space<hbm>> -> memref<64x1024xf32, #tpu.memory_space<hbm>>
      %dma_start3A_37 = arith.constant 0 : i32
      %dma_start3A_38 = tpu.memref_slice %arg2[%add3A_19, %dma_start3A_37] : memref<4096x1024xf32, #tpu.memory_space<hbm>> -> memref<64x1024xf32, #tpu.memory_space<hbm>>
      tpu.enqueue_dma source(%dma_start3A_38 : memref<64x1024xf32, #tpu.memory_space<hbm>>) target(%arg8 : memref<64x1024xf32, #tpu.memory_space<vmem>>) target_semaphore(%run_scoped3A_34 : memref<!tpu.dma_semaphore, #tpu.memory_space<semaphore_mem>>)
      %dma_wait3A_39 = arith.constant 0 : i32
      %dma_wait3A_40 = tpu.memref_slice %arg2[%add3A_19, %dma_wait3A_39] : memref<4096x1024xf32, #tpu.memory_space<hbm>> -> memref<64x1024xf32, #tpu.memory_space<hbm>>
      %dma_wait3A_41 = arith.constant 0 : i32
      %dma_wait3A_42 = tpu.memref_slice %arg2[%add3A_19, %dma_wait3A_41] : memref<4096x1024xf32, #tpu.memory_space<hbm>> -> memref<64x1024xf32, #tpu.memory_space<hbm>>
      tpu.wait_dma2 semaphore(%run_scoped3A_34 : memref<!tpu.dma_semaphore, #tpu.memory_space<semaphore_mem>>) src(%dma_wait3A_42 : memref<64x1024xf32, #tpu.memory_space<hbm>>) dst(%arg8 : memref<64x1024xf32, #tpu.memory_space<vmem>>)
      tpu.yield
    }) : () -> ()
    %run_scoped3A_20 = arith.constant 1 : i32
    "tpu.region"() ({
      %run_scoped3A_34 = tpu.sem_alloc : memref<!tpu.dma_semaphore, #tpu.memory_space<semaphore_mem>>
      %dma_start3A_35 = arith.constant 0 : i32
      %dma_start3A_36 = tpu.memref_slice %arg3[%add3A, %run_scoped3A_20, %dma_start3A_35] : memref<32x2x64xi32, #tpu.memory_space<hbm>> -> memref<1x1x64xi32, #tpu.memory_space<hbm>>
      %dma_start3A_37 = tpu.memref_squeeze %dma_start3A_36 : memref<1x1x64xi32, #tpu.memory_space<hbm>> -> memref<64xi32, #tpu.memory_space<hbm>>
      %dma_start3A_38 = arith.constant 0 : i32
      %dma_start3A_39 = tpu.memref_slice %arg3[%add3A, %run_scoped3A_20, %dma_start3A_38] : memref<32x2x64xi32, #tpu.memory_space<hbm>> -> memref<1x1x64xi32, #tpu.memory_space<hbm>>
      %dma_start3A_40 = tpu.memref_squeeze %dma_start3A_39 : memref<1x1x64xi32, #tpu.memory_space<hbm>> -> memref<64xi32, #tpu.memory_space<hbm>>
      tpu.enqueue_dma source(%dma_start3A_40 : memref<64xi32, #tpu.memory_space<hbm>>) target(%arg6 : memref<64xi32, #tpu.memory_space<vmem>>) target_semaphore(%run_scoped3A_34 : memref<!tpu.dma_semaphore, #tpu.memory_space<semaphore_mem>>)
      %dma_wait3A_41 = arith.constant 0 : i32
      %dma_wait3A_42 = tpu.memref_slice %arg3[%add3A, %run_scoped3A_20, %dma_wait3A_41] : memref<32x2x64xi32, #tpu.memory_space<hbm>> -> memref<1x1x64xi32, #tpu.memory_space<hbm>>
      %dma_wait3A_43 = tpu.memref_squeeze %dma_wait3A_42 : memref<1x1x64xi32, #tpu.memory_space<hbm>> -> memref<64xi32, #tpu.memory_space<hbm>>
      %dma_wait3A_44 = arith.constant 0 : i32
      %dma_wait3A_45 = tpu.memref_slice %arg3[%add3A, %run_scoped3A_20, %dma_wait3A_44] : memref<32x2x64xi32, #tpu.memory_space<hbm>> -> memref<1x1x64xi32, #tpu.memory_space<hbm>>
      %dma_wait3A_46 = tpu.memref_squeeze %dma_wait3A_45 : memref<1x1x64xi32, #tpu.memory_space<hbm>> -> memref<64xi32, #tpu.memory_space<hbm>>
      tpu.wait_dma2 semaphore(%run_scoped3A_34 : memref<!tpu.dma_semaphore, #tpu.memory_space<semaphore_mem>>) src(%dma_wait3A_46 : memref<64xi32, #tpu.memory_space<hbm>>) dst(%arg6 : memref<64xi32, #tpu.memory_space<vmem>>)
      tpu.yield
    }) : () -> ()
    %run_scoped3A_21 = arith.constant 1 : i32
    "tpu.region"() ({
      %run_scoped3A_34 = tpu.sem_alloc : memref<!tpu.dma_semaphore, #tpu.memory_space<semaphore_mem>>
      %dma_start3A_35 = arith.constant 0 : i32
      %dma_start3A_36 = tpu.memref_slice %arg4[%add3A, %run_scoped3A_21, %dma_start3A_35] : memref<32x2x64xi32, #tpu.memory_space<hbm>> -> memref<1x1x64xi32, #tpu.memory_space<hbm>>
      %dma_start3A_37 = tpu.memref_squeeze %dma_start3A_36 : memref<1x1x64xi32, #tpu.memory_space<hbm>> -> memref<64xi32, #tpu.memory_space<hbm>>
      %dma_start3A_38 = arith.constant 0 : i32
      %dma_start3A_39 = tpu.memref_slice %arg4[%add3A, %run_scoped3A_21, %dma_start3A_38] : memref<32x2x64xi32, #tpu.memory_space<hbm>> -> memref<1x1x64xi32, #tpu.memory_space<hbm>>
      %dma_start3A_40 = tpu.memref_squeeze %dma_start3A_39 : memref<1x1x64xi32, #tpu.memory_space<hbm>> -> memref<64xi32, #tpu.memory_space<hbm>>
      tpu.enqueue_dma source(%dma_start3A_40 : memref<64xi32, #tpu.memory_space<hbm>>) target(%arg7 : memref<64xi32, #tpu.memory_space<vmem>>) target_semaphore(%run_scoped3A_34 : memref<!tpu.dma_semaphore, #tpu.memory_space<semaphore_mem>>)
      %dma_wait3A_41 = arith.constant 0 : i32
      %dma_wait3A_42 = tpu.memref_slice %arg4[%add3A, %run_scoped3A_21, %dma_wait3A_41] : memref<32x2x64xi32, #tpu.memory_space<hbm>> -> memref<1x1x64xi32, #tpu.memory_space<hbm>>
      %dma_wait3A_43 = tpu.memref_squeeze %dma_wait3A_42 : memref<1x1x64xi32, #tpu.memory_space<hbm>> -> memref<64xi32, #tpu.memory_space<hbm>>
      %dma_wait3A_44 = arith.constant 0 : i32
      %dma_wait3A_45 = tpu.memref_slice %arg4[%add3A, %run_scoped3A_21, %dma_wait3A_44] : memref<32x2x64xi32, #tpu.memory_space<hbm>> -> memref<1x1x64xi32, #tpu.memory_space<hbm>>
      %dma_wait3A_46 = tpu.memref_squeeze %dma_wait3A_45 : memref<1x1x64xi32, #tpu.memory_space<hbm>> -> memref<64xi32, #tpu.memory_space<hbm>>
      tpu.wait_dma2 semaphore(%run_scoped3A_34 : memref<!tpu.dma_semaphore, #tpu.memory_space<semaphore_mem>>) src(%dma_wait3A_46 : memref<64xi32, #tpu.memory_space<hbm>>) dst(%arg7 : memref<64xi32, #tpu.memory_space<vmem>>)
      tpu.yield
    }) : () -> ()
    %dma_start3A_22 = arith.constant 0 : i32
    %dma_start3A_23 = arith.constant 0 : i32
    %dma_start3A_24 = tpu.memref_slice %arg5[%dma_start3A_22, %dma_start3A_23] : memref<10240x1024xf32, #tpu.memory_space<hbm>> -> memref<10240x1024xf32, #tpu.memory_space<hbm>>
    tpu.enqueue_indirect_dma source(%arg8 : memref<64x1024xf32, #tpu.memory_space<vmem>>) target(%dma_start3A_24 : memref<10240x1024xf32, #tpu.memory_space<hbm>>) offsets(%arg6 : memref<64xi32, #tpu.memory_space<vmem>>) semaphore(%arg9 : memref<!tpu.dma_semaphore, #tpu.memory_space<semaphore_mem>>)
    %dma_start3A_25 = arith.constant 0 : i32
    %dma_start3A_26 = arith.constant 0 : i32
    %dma_start3A_27 = tpu.memref_slice %arg5[%dma_start3A_25, %dma_start3A_26] : memref<10240x1024xf32, #tpu.memory_space<hbm>> -> memref<10240x1024xf32, #tpu.memory_space<hbm>>
    tpu.enqueue_indirect_dma source(%arg8 : memref<64x1024xf32, #tpu.memory_space<vmem>>) target(%dma_start3A_27 : memref<10240x1024xf32, #tpu.memory_space<hbm>>) offsets(%arg7 : memref<64xi32, #tpu.memory_space<vmem>>) semaphore(%arg9 : memref<!tpu.dma_semaphore, #tpu.memory_space<semaphore_mem>>)
    %dma_wait3A_28 = arith.constant 0 : i32
    %dma_wait3A_29 = arith.constant 0 : i32
    %dma_wait3A_30 = tpu.memref_slice %arg5[%dma_wait3A_28, %dma_wait3A_29] : memref<10240x1024xf32, #tpu.memory_space<hbm>> -> memref<10240x1024xf32, #tpu.memory_space<hbm>>
    tpu.wait_indirect_dma semaphore(%arg9 : memref<!tpu.dma_semaphore, #tpu.memory_space<semaphore_mem>>) src(%arg8 : memref<64x1024xf32, #tpu.memory_space<vmem>>) dst(%dma_wait3A_30 : memref<10240x1024xf32, #tpu.memory_space<hbm>>)
    %dma_wait3A_31 = arith.constant 0 : i32
    %dma_wait3A_32 = arith.constant 0 : i32
    %dma_wait3A_33 = tpu.memref_slice %arg5[%dma_wait3A_31, %dma_wait3A_32] : memref<10240x1024xf32, #tpu.memory_space<hbm>> -> memref<10240x1024xf32, #tpu.memory_space<hbm>>
    tpu.wait_indirect_dma semaphore(%arg9 : memref<!tpu.dma_semaphore, #tpu.memory_space<semaphore_mem>>) src(%arg8 : memref<64x1024xf32, #tpu.memory_space<vmem>>) dst(%dma_wait3A_33 : memref<10240x1024xf32, #tpu.memory_space<hbm>>)
    return
  }
}

#map = affine_map<(d0, d1) -> (0, 0)>
module attributes {stable_mosaic.version = 14 : i64} {
  func.func @k(%arg0: i32, %arg1: i32, %arg2: memref<10240x1024xf32, #tpu.memory_space<hbm>>, %arg3: memref<32x128xi32, #tpu.memory_space<hbm>>, %arg4: memref<32x128xi32, #tpu.memory_space<hbm>>, %arg5: memref<4096x1024xf32, #tpu.memory_space<hbm>>, %arg6: memref<4096x1024xf32, #tpu.memory_space<hbm>>, %arg7: memref<128xi32, #tpu.memory_space<vmem>>, %arg8: memref<128xi32, #tpu.memory_space<vmem>>, %arg9: memref<64x1024xf32, #tpu.memory_space<vmem>>, %arg10: memref<!tpu.dma_semaphore, #tpu.memory_space<semaphore_mem>>) attributes {dimension_semantics = [#tpu.dimension_semantics<core_parallel>, #tpu.dimension_semantics<subcore_parallel>], iteration_bounds = array<i64: 2, 16>, scalar_prefetch = 0 : i64, scratch_operands = 4 : i64, tpu.core_type = #tpu.core_type<sc_vector_subcore>, window_params = [{transform_indices = #map}, {transform_indices = #map}, {transform_indices = #map}, {transform_indices = #map}, {transform_indices = #map}]} {
    %mul3A = arith.constant 2 : i32
    %mul3A_0 = arith.muli %arg1, %mul3A : i32
    %add3A = arith.addi %mul3A_0, %arg0 : i32
    "tpu.region"() ({
      %run_scoped3A = tpu.sem_alloc : memref<!tpu.dma_semaphore, #tpu.memory_space<semaphore_mem>>
      %dma_start3A_47 = arith.constant 0 : i32
      %dma_start3A_48 = tpu.memref_slice %arg3[%add3A, %dma_start3A_47] : memref<32x128xi32, #tpu.memory_space<hbm>> -> memref<1x128xi32, #tpu.memory_space<hbm>>
      %dma_start3A_49 = tpu.memref_squeeze %dma_start3A_48 : memref<1x128xi32, #tpu.memory_space<hbm>> -> memref<128xi32, #tpu.memory_space<hbm>>
      %dma_start3A_50 = arith.constant 0 : i32
      %dma_start3A_51 = tpu.memref_slice %arg3[%add3A, %dma_start3A_50] : memref<32x128xi32, #tpu.memory_space<hbm>> -> memref<1x128xi32, #tpu.memory_space<hbm>>
      %dma_start3A_52 = tpu.memref_squeeze %dma_start3A_51 : memref<1x128xi32, #tpu.memory_space<hbm>> -> memref<128xi32, #tpu.memory_space<hbm>>
      tpu.enqueue_dma source(%dma_start3A_52 : memref<128xi32, #tpu.memory_space<hbm>>) target(%arg7 : memref<128xi32, #tpu.memory_space<vmem>>) target_semaphore(%run_scoped3A : memref<!tpu.dma_semaphore, #tpu.memory_space<semaphore_mem>>)
      %dma_wait3A_53 = arith.constant 0 : i32
      %dma_wait3A_54 = tpu.memref_slice %arg3[%add3A, %dma_wait3A_53] : memref<32x128xi32, #tpu.memory_space<hbm>> -> memref<1x128xi32, #tpu.memory_space<hbm>>
      %dma_wait3A_55 = tpu.memref_squeeze %dma_wait3A_54 : memref<1x128xi32, #tpu.memory_space<hbm>> -> memref<128xi32, #tpu.memory_space<hbm>>
      %dma_wait3A_56 = arith.constant 0 : i32
      %dma_wait3A_57 = tpu.memref_slice %arg3[%add3A, %dma_wait3A_56] : memref<32x128xi32, #tpu.memory_space<hbm>> -> memref<1x128xi32, #tpu.memory_space<hbm>>
      %dma_wait3A_58 = tpu.memref_squeeze %dma_wait3A_57 : memref<1x128xi32, #tpu.memory_space<hbm>> -> memref<128xi32, #tpu.memory_space<hbm>>
      tpu.wait_dma2 semaphore(%run_scoped3A : memref<!tpu.dma_semaphore, #tpu.memory_space<semaphore_mem>>) src(%dma_wait3A_58 : memref<128xi32, #tpu.memory_space<hbm>>) dst(%arg7 : memref<128xi32, #tpu.memory_space<vmem>>)
      tpu.yield
    }) : () -> ()
    "tpu.region"() ({
      %run_scoped3A = tpu.sem_alloc : memref<!tpu.dma_semaphore, #tpu.memory_space<semaphore_mem>>
      %dma_start3A_47 = arith.constant 0 : i32
      %dma_start3A_48 = tpu.memref_slice %arg4[%add3A, %dma_start3A_47] : memref<32x128xi32, #tpu.memory_space<hbm>> -> memref<1x128xi32, #tpu.memory_space<hbm>>
      %dma_start3A_49 = tpu.memref_squeeze %dma_start3A_48 : memref<1x128xi32, #tpu.memory_space<hbm>> -> memref<128xi32, #tpu.memory_space<hbm>>
      %dma_start3A_50 = arith.constant 0 : i32
      %dma_start3A_51 = tpu.memref_slice %arg4[%add3A, %dma_start3A_50] : memref<32x128xi32, #tpu.memory_space<hbm>> -> memref<1x128xi32, #tpu.memory_space<hbm>>
      %dma_start3A_52 = tpu.memref_squeeze %dma_start3A_51 : memref<1x128xi32, #tpu.memory_space<hbm>> -> memref<128xi32, #tpu.memory_space<hbm>>
      tpu.enqueue_dma source(%dma_start3A_52 : memref<128xi32, #tpu.memory_space<hbm>>) target(%arg8 : memref<128xi32, #tpu.memory_space<vmem>>) target_semaphore(%run_scoped3A : memref<!tpu.dma_semaphore, #tpu.memory_space<semaphore_mem>>)
      %dma_wait3A_53 = arith.constant 0 : i32
      %dma_wait3A_54 = tpu.memref_slice %arg4[%add3A, %dma_wait3A_53] : memref<32x128xi32, #tpu.memory_space<hbm>> -> memref<1x128xi32, #tpu.memory_space<hbm>>
      %dma_wait3A_55 = tpu.memref_squeeze %dma_wait3A_54 : memref<1x128xi32, #tpu.memory_space<hbm>> -> memref<128xi32, #tpu.memory_space<hbm>>
      %dma_wait3A_56 = arith.constant 0 : i32
      %dma_wait3A_57 = tpu.memref_slice %arg4[%add3A, %dma_wait3A_56] : memref<32x128xi32, #tpu.memory_space<hbm>> -> memref<1x128xi32, #tpu.memory_space<hbm>>
      %dma_wait3A_58 = tpu.memref_squeeze %dma_wait3A_57 : memref<1x128xi32, #tpu.memory_space<hbm>> -> memref<128xi32, #tpu.memory_space<hbm>>
      tpu.wait_dma2 semaphore(%run_scoped3A : memref<!tpu.dma_semaphore, #tpu.memory_space<semaphore_mem>>) src(%dma_wait3A_58 : memref<128xi32, #tpu.memory_space<hbm>>) dst(%arg8 : memref<128xi32, #tpu.memory_space<vmem>>)
      tpu.yield
    }) : () -> ()
    %mul3A_1 = arith.constant 128 : i32
    %mul3A_2 = arith.muli %add3A, %mul3A_1 : i32
    %add3A_3 = arith.constant 0 : i32
    %add3A_4 = arith.addi %mul3A_2, %add3A_3 : i32
    %dma_start3A = arith.constant 0 : i32
    %dma_start3A_5 = tpu.memref_slice %arg7[%dma_start3A] : memref<128xi32, #tpu.memory_space<vmem>> -> memref<64xi32, #tpu.memory_space<vmem>>
    %dma_start3A_6 = arith.constant 0 : i32
    %dma_start3A_7 = arith.constant 0 : i32
    %dma_start3A_8 = tpu.memref_slice %arg2[%dma_start3A_6, %dma_start3A_7] : memref<10240x1024xf32, #tpu.memory_space<hbm>> -> memref<10240x1024xf32, #tpu.memory_space<hbm>>
    tpu.enqueue_indirect_dma source(%dma_start3A_8 : memref<10240x1024xf32, #tpu.memory_space<hbm>>) target(%arg9 : memref<64x1024xf32, #tpu.memory_space<vmem>>) offsets(%dma_start3A_5 : memref<64xi32, #tpu.memory_space<vmem>>) semaphore(%arg10 : memref<!tpu.dma_semaphore, #tpu.memory_space<semaphore_mem>>)
    %dma_wait3A = arith.constant 0 : i32
    %dma_wait3A_9 = tpu.memref_slice %arg7[%dma_wait3A] : memref<128xi32, #tpu.memory_space<vmem>> -> memref<64xi32, #tpu.memory_space<vmem>>
    %dma_wait3A_10 = arith.constant 0 : i32
    %dma_wait3A_11 = arith.constant 0 : i32
    %dma_wait3A_12 = tpu.memref_slice %arg2[%dma_wait3A_10, %dma_wait3A_11] : memref<10240x1024xf32, #tpu.memory_space<hbm>> -> memref<10240x1024xf32, #tpu.memory_space<hbm>>
    tpu.wait_indirect_dma semaphore(%arg10 : memref<!tpu.dma_semaphore, #tpu.memory_space<semaphore_mem>>) src(%dma_wait3A_12 : memref<10240x1024xf32, #tpu.memory_space<hbm>>) dst(%arg9 : memref<64x1024xf32, #tpu.memory_space<vmem>>)
    "tpu.region"() ({
      %run_scoped3A = tpu.sem_alloc : memref<!tpu.dma_semaphore, #tpu.memory_space<semaphore_mem>>
      %dma_start3A_47 = arith.constant 0 : i32
      %dma_start3A_48 = tpu.memref_slice %arg5[%add3A_4, %dma_start3A_47] : memref<4096x1024xf32, #tpu.memory_space<hbm>> -> memref<64x1024xf32, #tpu.memory_space<hbm>>
      %dma_start3A_49 = arith.constant 0 : i32
      %dma_start3A_50 = tpu.memref_slice %arg5[%add3A_4, %dma_start3A_49] : memref<4096x1024xf32, #tpu.memory_space<hbm>> -> memref<64x1024xf32, #tpu.memory_space<hbm>>
      tpu.enqueue_dma source(%arg9 : memref<64x1024xf32, #tpu.memory_space<vmem>>) target(%dma_start3A_50 : memref<64x1024xf32, #tpu.memory_space<hbm>>) target_semaphore(%run_scoped3A : memref<!tpu.dma_semaphore, #tpu.memory_space<semaphore_mem>>)
      %dma_wait3A_51 = arith.constant 0 : i32
      %dma_wait3A_52 = tpu.memref_slice %arg5[%add3A_4, %dma_wait3A_51] : memref<4096x1024xf32, #tpu.memory_space<hbm>> -> memref<64x1024xf32, #tpu.memory_space<hbm>>
      %dma_wait3A_53 = arith.constant 0 : i32
      %dma_wait3A_54 = tpu.memref_slice %arg5[%add3A_4, %dma_wait3A_53] : memref<4096x1024xf32, #tpu.memory_space<hbm>> -> memref<64x1024xf32, #tpu.memory_space<hbm>>
      tpu.wait_dma2 semaphore(%run_scoped3A : memref<!tpu.dma_semaphore, #tpu.memory_space<semaphore_mem>>) src(%arg9 : memref<64x1024xf32, #tpu.memory_space<vmem>>) dst(%dma_wait3A_54 : memref<64x1024xf32, #tpu.memory_space<hbm>>)
      tpu.yield
    }) : () -> ()
    %dma_start3A_13 = arith.constant 0 : i32
    %dma_start3A_14 = tpu.memref_slice %arg8[%dma_start3A_13] : memref<128xi32, #tpu.memory_space<vmem>> -> memref<64xi32, #tpu.memory_space<vmem>>
    %dma_start3A_15 = arith.constant 0 : i32
    %dma_start3A_16 = arith.constant 0 : i32
    %dma_start3A_17 = tpu.memref_slice %arg2[%dma_start3A_15, %dma_start3A_16] : memref<10240x1024xf32, #tpu.memory_space<hbm>> -> memref<10240x1024xf32, #tpu.memory_space<hbm>>
    tpu.enqueue_indirect_dma source(%dma_start3A_17 : memref<10240x1024xf32, #tpu.memory_space<hbm>>) target(%arg9 : memref<64x1024xf32, #tpu.memory_space<vmem>>) offsets(%dma_start3A_14 : memref<64xi32, #tpu.memory_space<vmem>>) semaphore(%arg10 : memref<!tpu.dma_semaphore, #tpu.memory_space<semaphore_mem>>)
    %dma_wait3A_18 = arith.constant 0 : i32
    %dma_wait3A_19 = tpu.memref_slice %arg8[%dma_wait3A_18] : memref<128xi32, #tpu.memory_space<vmem>> -> memref<64xi32, #tpu.memory_space<vmem>>
    %dma_wait3A_20 = arith.constant 0 : i32
    %dma_wait3A_21 = arith.constant 0 : i32
    %dma_wait3A_22 = tpu.memref_slice %arg2[%dma_wait3A_20, %dma_wait3A_21] : memref<10240x1024xf32, #tpu.memory_space<hbm>> -> memref<10240x1024xf32, #tpu.memory_space<hbm>>
    tpu.wait_indirect_dma semaphore(%arg10 : memref<!tpu.dma_semaphore, #tpu.memory_space<semaphore_mem>>) src(%dma_wait3A_22 : memref<10240x1024xf32, #tpu.memory_space<hbm>>) dst(%arg9 : memref<64x1024xf32, #tpu.memory_space<vmem>>)
    "tpu.region"() ({
      %run_scoped3A = tpu.sem_alloc : memref<!tpu.dma_semaphore, #tpu.memory_space<semaphore_mem>>
      %dma_start3A_47 = arith.constant 0 : i32
      %dma_start3A_48 = tpu.memref_slice %arg6[%add3A_4, %dma_start3A_47] : memref<4096x1024xf32, #tpu.memory_space<hbm>> -> memref<64x1024xf32, #tpu.memory_space<hbm>>
      %dma_start3A_49 = arith.constant 0 : i32
      %dma_start3A_50 = tpu.memref_slice %arg6[%add3A_4, %dma_start3A_49] : memref<4096x1024xf32, #tpu.memory_space<hbm>> -> memref<64x1024xf32, #tpu.memory_space<hbm>>
      tpu.enqueue_dma source(%arg9 : memref<64x1024xf32, #tpu.memory_space<vmem>>) target(%dma_start3A_50 : memref<64x1024xf32, #tpu.memory_space<hbm>>) target_semaphore(%run_scoped3A : memref<!tpu.dma_semaphore, #tpu.memory_space<semaphore_mem>>)
      %dma_wait3A_51 = arith.constant 0 : i32
      %dma_wait3A_52 = tpu.memref_slice %arg6[%add3A_4, %dma_wait3A_51] : memref<4096x1024xf32, #tpu.memory_space<hbm>> -> memref<64x1024xf32, #tpu.memory_space<hbm>>
      %dma_wait3A_53 = arith.constant 0 : i32
      %dma_wait3A_54 = tpu.memref_slice %arg6[%add3A_4, %dma_wait3A_53] : memref<4096x1024xf32, #tpu.memory_space<hbm>> -> memref<64x1024xf32, #tpu.memory_space<hbm>>
      tpu.wait_dma2 semaphore(%run_scoped3A : memref<!tpu.dma_semaphore, #tpu.memory_space<semaphore_mem>>) src(%arg9 : memref<64x1024xf32, #tpu.memory_space<vmem>>) dst(%dma_wait3A_54 : memref<64x1024xf32, #tpu.memory_space<hbm>>)
      tpu.yield
    }) : () -> ()
    %mul3A_23 = arith.constant 128 : i32
    %mul3A_24 = arith.muli %add3A, %mul3A_23 : i32
    %add3A_25 = arith.constant 64 : i32
    %add3A_26 = arith.addi %mul3A_24, %add3A_25 : i32
    %dma_start3A_27 = arith.constant 64 : i32
    %dma_start3A_28 = tpu.memref_slice %arg7[%dma_start3A_27] : memref<128xi32, #tpu.memory_space<vmem>> -> memref<64xi32, #tpu.memory_space<vmem>>
    %dma_start3A_29 = arith.constant 0 : i32
    %dma_start3A_30 = arith.constant 0 : i32
    %dma_start3A_31 = tpu.memref_slice %arg2[%dma_start3A_29, %dma_start3A_30] : memref<10240x1024xf32, #tpu.memory_space<hbm>> -> memref<10240x1024xf32, #tpu.memory_space<hbm>>
    tpu.enqueue_indirect_dma source(%dma_start3A_31 : memref<10240x1024xf32, #tpu.memory_space<hbm>>) target(%arg9 : memref<64x1024xf32, #tpu.memory_space<vmem>>) offsets(%dma_start3A_28 : memref<64xi32, #tpu.memory_space<vmem>>) semaphore(%arg10 : memref<!tpu.dma_semaphore, #tpu.memory_space<semaphore_mem>>)
    %dma_wait3A_32 = arith.constant 64 : i32
    %dma_wait3A_33 = tpu.memref_slice %arg7[%dma_wait3A_32] : memref<128xi32, #tpu.memory_space<vmem>> -> memref<64xi32, #tpu.memory_space<vmem>>
    %dma_wait3A_34 = arith.constant 0 : i32
    %dma_wait3A_35 = arith.constant 0 : i32
    %dma_wait3A_36 = tpu.memref_slice %arg2[%dma_wait3A_34, %dma_wait3A_35] : memref<10240x1024xf32, #tpu.memory_space<hbm>> -> memref<10240x1024xf32, #tpu.memory_space<hbm>>
    tpu.wait_indirect_dma semaphore(%arg10 : memref<!tpu.dma_semaphore, #tpu.memory_space<semaphore_mem>>) src(%dma_wait3A_36 : memref<10240x1024xf32, #tpu.memory_space<hbm>>) dst(%arg9 : memref<64x1024xf32, #tpu.memory_space<vmem>>)
    "tpu.region"() ({
      %run_scoped3A = tpu.sem_alloc : memref<!tpu.dma_semaphore, #tpu.memory_space<semaphore_mem>>
      %dma_start3A_47 = arith.constant 0 : i32
      %dma_start3A_48 = tpu.memref_slice %arg5[%add3A_26, %dma_start3A_47] : memref<4096x1024xf32, #tpu.memory_space<hbm>> -> memref<64x1024xf32, #tpu.memory_space<hbm>>
      %dma_start3A_49 = arith.constant 0 : i32
      %dma_start3A_50 = tpu.memref_slice %arg5[%add3A_26, %dma_start3A_49] : memref<4096x1024xf32, #tpu.memory_space<hbm>> -> memref<64x1024xf32, #tpu.memory_space<hbm>>
      tpu.enqueue_dma source(%arg9 : memref<64x1024xf32, #tpu.memory_space<vmem>>) target(%dma_start3A_50 : memref<64x1024xf32, #tpu.memory_space<hbm>>) target_semaphore(%run_scoped3A : memref<!tpu.dma_semaphore, #tpu.memory_space<semaphore_mem>>)
      %dma_wait3A_51 = arith.constant 0 : i32
      %dma_wait3A_52 = tpu.memref_slice %arg5[%add3A_26, %dma_wait3A_51] : memref<4096x1024xf32, #tpu.memory_space<hbm>> -> memref<64x1024xf32, #tpu.memory_space<hbm>>
      %dma_wait3A_53 = arith.constant 0 : i32
      %dma_wait3A_54 = tpu.memref_slice %arg5[%add3A_26, %dma_wait3A_53] : memref<4096x1024xf32, #tpu.memory_space<hbm>> -> memref<64x1024xf32, #tpu.memory_space<hbm>>
      tpu.wait_dma2 semaphore(%run_scoped3A : memref<!tpu.dma_semaphore, #tpu.memory_space<semaphore_mem>>) src(%arg9 : memref<64x1024xf32, #tpu.memory_space<vmem>>) dst(%dma_wait3A_54 : memref<64x1024xf32, #tpu.memory_space<hbm>>)
      tpu.yield
    }) : () -> ()
    %dma_start3A_37 = arith.constant 64 : i32
    %dma_start3A_38 = tpu.memref_slice %arg8[%dma_start3A_37] : memref<128xi32, #tpu.memory_space<vmem>> -> memref<64xi32, #tpu.memory_space<vmem>>
    %dma_start3A_39 = arith.constant 0 : i32
    %dma_start3A_40 = arith.constant 0 : i32
    %dma_start3A_41 = tpu.memref_slice %arg2[%dma_start3A_39, %dma_start3A_40] : memref<10240x1024xf32, #tpu.memory_space<hbm>> -> memref<10240x1024xf32, #tpu.memory_space<hbm>>
    tpu.enqueue_indirect_dma source(%dma_start3A_41 : memref<10240x1024xf32, #tpu.memory_space<hbm>>) target(%arg9 : memref<64x1024xf32, #tpu.memory_space<vmem>>) offsets(%dma_start3A_38 : memref<64xi32, #tpu.memory_space<vmem>>) semaphore(%arg10 : memref<!tpu.dma_semaphore, #tpu.memory_space<semaphore_mem>>)
    %dma_wait3A_42 = arith.constant 64 : i32
    %dma_wait3A_43 = tpu.memref_slice %arg8[%dma_wait3A_42] : memref<128xi32, #tpu.memory_space<vmem>> -> memref<64xi32, #tpu.memory_space<vmem>>
    %dma_wait3A_44 = arith.constant 0 : i32
    %dma_wait3A_45 = arith.constant 0 : i32
    %dma_wait3A_46 = tpu.memref_slice %arg2[%dma_wait3A_44, %dma_wait3A_45] : memref<10240x1024xf32, #tpu.memory_space<hbm>> -> memref<10240x1024xf32, #tpu.memory_space<hbm>>
    tpu.wait_indirect_dma semaphore(%arg10 : memref<!tpu.dma_semaphore, #tpu.memory_space<semaphore_mem>>) src(%dma_wait3A_46 : memref<10240x1024xf32, #tpu.memory_space<hbm>>) dst(%arg9 : memref<64x1024xf32, #tpu.memory_space<vmem>>)
    "tpu.region"() ({
      %run_scoped3A = tpu.sem_alloc : memref<!tpu.dma_semaphore, #tpu.memory_space<semaphore_mem>>
      %dma_start3A_47 = arith.constant 0 : i32
      %dma_start3A_48 = tpu.memref_slice %arg6[%add3A_26, %dma_start3A_47] : memref<4096x1024xf32, #tpu.memory_space<hbm>> -> memref<64x1024xf32, #tpu.memory_space<hbm>>
      %dma_start3A_49 = arith.constant 0 : i32
      %dma_start3A_50 = tpu.memref_slice %arg6[%add3A_26, %dma_start3A_49] : memref<4096x1024xf32, #tpu.memory_space<hbm>> -> memref<64x1024xf32, #tpu.memory_space<hbm>>
      tpu.enqueue_dma source(%arg9 : memref<64x1024xf32, #tpu.memory_space<vmem>>) target(%dma_start3A_50 : memref<64x1024xf32, #tpu.memory_space<hbm>>) target_semaphore(%run_scoped3A : memref<!tpu.dma_semaphore, #tpu.memory_space<semaphore_mem>>)
      %dma_wait3A_51 = arith.constant 0 : i32
      %dma_wait3A_52 = tpu.memref_slice %arg6[%add3A_26, %dma_wait3A_51] : memref<4096x1024xf32, #tpu.memory_space<hbm>> -> memref<64x1024xf32, #tpu.memory_space<hbm>>
      %dma_wait3A_53 = arith.constant 0 : i32
      %dma_wait3A_54 = tpu.memref_slice %arg6[%add3A_26, %dma_wait3A_53] : memref<4096x1024xf32, #tpu.memory_space<hbm>> -> memref<64x1024xf32, #tpu.memory_space<hbm>>
      tpu.wait_dma2 semaphore(%run_scoped3A : memref<!tpu.dma_semaphore, #tpu.memory_space<semaphore_mem>>) src(%arg9 : memref<64x1024xf32, #tpu.memory_space<vmem>>) dst(%dma_wait3A_54 : memref<64x1024xf32, #tpu.memory_space<hbm>>)
      tpu.yield
    }) : () -> ()
    return
  }
}

module attributes {stable_mosaic.version = 14 : i64} {
  func.func @_routing_body(%arg0: i32, %arg1: i32, %arg2: memref<512x8xf32, #tpu.memory_space<vmem>>, %arg3: memref<1x8xf32, #tpu.memory_space<vmem>>, %arg4: memref<512x512xf32, #tpu.memory_space<vmem>>, %arg5: memref<512x2xi32, #tpu.memory_space<vmem>>, %arg6: memref<512x2xf32, #tpu.memory_space<vmem>>, %arg7: memref<2x8xf32, #tpu.memory_space<vmem>>, %arg8: memref<1x8xf32, #tpu.memory_space<vmem>>, %arg9: memref<1x8xf32, #tpu.memory_space<vmem>>) attributes {dimension_semantics = [#tpu.dimension_semantics<arbitrary>, #tpu.dimension_semantics<arbitrary>], iteration_bounds = array<i64: 2, 8>, scalar_prefetch = 0 : i64, scratch_operands = 2 : i64, tpu.core_type = #tpu.core_type<tc>, window_params = [{transform_indices = @transform_0, window_bounds = array<i64: 512, 8>}, {pipeline_mode = #tpu.pipeline_mode<synchronous>, transform_indices = @transform_1, window_bounds = array<i64: 1, 8>}, {pipeline_mode = #tpu.pipeline_mode<synchronous>, transform_indices = @transform_2, window_bounds = array<i64: 512, 512>}, {transform_indices = @transform_3, window_bounds = array<i64: 512, 2>}, {transform_indices = @transform_4, window_bounds = array<i64: 512, 2>}, {pipeline_mode = #tpu.pipeline_mode<synchronous>, transform_indices = @transform_5, window_bounds = array<i64: 2, 8>}]} {
    %eq3A = arith.constant 0 : i32
    %eq3A_0 = arith.cmpi eq, %arg0, %eq3A : i32
    %eq3A_1 = arith.constant 0 : i32
    %eq3A_2 = arith.cmpi eq, %arg1, %eq3A_1 : i32
    %and3A = arith.andi %eq3A_0, %eq3A_2 : i1
    %convert_element_type3A = arith.extui %and3A : i1 to i32
    %cond3A = arith.constant 0 : i32
    %cond3A_3 = arith.cmpi ne, %convert_element_type3A, %cond3A : i32
    scf.if %cond3A_3 {
      %broadcast_in_dim3A_284 = arith.constant 0.000000e+00 : f32
      %broadcast_in_dim3A_285 = vector.broadcast %broadcast_in_dim3A_284 : f32 to vector<1x8xf32>
      %swap3A = arith.constant 0 : index
      %swap3A_286 = arith.constant 0 : index
      %swap3A_287 = vector.load %arg8[%swap3A, %swap3A_286] : memref<1x8xf32, #tpu.memory_space<vmem>>, vector<1x8xf32>
      tpu.vector_store %arg8[%swap3A, %swap3A_286], %broadcast_in_dim3A_285 {strides = array<i32>} : memref<1x8xf32, #tpu.memory_space<vmem>>, vector<1x8xf32>,
    } else {
    }
    %get3A = arith.constant 0 : index
    %get3A_4 = arith.constant 0 : index
    %get3A_5 = vector.load %arg2[%get3A, %get3A_4] : memref<512x8xf32, #tpu.memory_space<vmem>>, vector<512x8xf32>
    %get3A_6 = arith.constant 0 : index
    %get3A_7 = arith.constant 0 : index
    %get3A_8 = vector.load %arg3[%get3A_6, %get3A_7] : memref<1x8xf32, #tpu.memory_space<vmem>>, vector<1x8xf32>
    %add3A = vector.broadcast %get3A_8 : vector<1x8xf32> to vector<512x8xf32>
    %add3A_9 = arith.addf %get3A_5, %add3A : vector<512x8xf32>
    %slice3A = vector.extract_strided_slice %add3A_9 {offsets = [0, 0], sizes = [512, 1], strides = [1, 1]} : vector<512x8xf32> to vector<512x1xf32>
    %slice3A_10 = vector.extract_strided_slice %add3A_9 {offsets = [0, 1], sizes = [512, 1], strides = [1, 1]} : vector<512x8xf32> to vector<512x1xf32>
    %add3A_11 = arith.addf %slice3A, %slice3A_10 : vector<512x1xf32>
    %slice3A_12 = vector.extract_strided_slice %add3A_9 {offsets = [0, 2], sizes = [512, 1], strides = [1, 1]} : vector<512x8xf32> to vector<512x1xf32>
    %slice3A_13 = vector.extract_strided_slice %add3A_9 {offsets = [0, 3], sizes = [512, 1], strides = [1, 1]} : vector<512x8xf32> to vector<512x1xf32>
    %add3A_14 = arith.addf %slice3A_12, %slice3A_13 : vector<512x1xf32>
    %slice3A_15 = vector.extract_strided_slice %add3A_9 {offsets = [0, 4], sizes = [512, 1], strides = [1, 1]} : vector<512x8xf32> to vector<512x1xf32>
    %slice3A_16 = vector.extract_strided_slice %add3A_9 {offsets = [0, 5], sizes = [512, 1], strides = [1, 1]} : vector<512x8xf32> to vector<512x1xf32>
    %add3A_17 = arith.addf %slice3A_15, %slice3A_16 : vector<512x1xf32>
    %slice3A_18 = vector.extract_strided_slice %add3A_9 {offsets = [0, 6], sizes = [512, 1], strides = [1, 1]} : vector<512x8xf32> to vector<512x1xf32>
    %slice3A_19 = vector.extract_strided_slice %add3A_9 {offsets = [0, 7], sizes = [512, 1], strides = [1, 1]} : vector<512x8xf32> to vector<512x1xf32>
    %add3A_20 = arith.addf %slice3A_18, %slice3A_19 : vector<512x1xf32>
    %concatenate3A = tpu.concatenate %add3A_11, %add3A_14, %add3A_17, %add3A_20 in 1 : vector<512x1xf32>, vector<512x1xf32>, vector<512x1xf32>, vector<512x1xf32> -> vector<512x4xf32>
    %broadcast_in_dim3A = arith.constant 0 : i32
    %broadcast_in_dim3A_21 = vector.broadcast %broadcast_in_dim3A : i32 to vector<512x4xi32>
    %slice3A_22 = vector.extract_strided_slice %concatenate3A {offsets = [0, 0], sizes = [512, 1], strides = [1, 1]} : vector<512x4xf32> to vector<512x1xf32>
    %gt3A = vector.broadcast %slice3A_22 : vector<512x1xf32> to vector<512x4xf32>
    %gt3A_23 = arith.cmpf ogt, %gt3A, %concatenate3A : vector<512x4xf32>
    %convert_element_type3A_24 = arith.extui %gt3A_23 : vector<512x4xi1> to vector<512x4xi32>
    %eq3A_25 = vector.broadcast %slice3A_22 : vector<512x1xf32> to vector<512x4xf32>
    %eq3A_26 = arith.cmpf oeq, %eq3A_25, %concatenate3A : vector<512x4xf32>
    %convert_element_type3A_27 = arith.extui %eq3A_26 : vector<512x4xi1> to vector<512x4xi32>
    %iota3A = tpu.iota {dimensions = array<i32: 1>} : vector<1x4xi32>
    %iota3A_28 = vector.shape_cast %iota3A : vector<1x4xi32> to vector<4xi32>
    %broadcast_in_dim3A_29 = vector.shape_cast %iota3A_28 : vector<4xi32> to vector<1x4xi32>
    %gt3A_30 = arith.constant 0 : i32
    %gt3A_31 = vector.broadcast %gt3A_30 : i32 to vector<1x4xi32>
    %gt3A_32 = arith.cmpi sgt, %broadcast_in_dim3A_29, %gt3A_31 : vector<1x4xi32>
    %convert_element_type3A_33 = arith.extui %gt3A_32 : vector<1x4xi1> to vector<1x4xi32>
    %add3A_34 = arith.addi %broadcast_in_dim3A_21, %convert_element_type3A_24 : vector<512x4xi32>
    %mul3A = vector.broadcast %convert_element_type3A_33 : vector<1x4xi32> to vector<512x4xi32>
    %mul3A_35 = arith.muli %convert_element_type3A_27, %mul3A : vector<512x4xi32>
    %add3A_36 = arith.addi %add3A_34, %mul3A_35 : vector<512x4xi32>
    %slice3A_37 = vector.extract_strided_slice %concatenate3A {offsets = [0, 1], sizes = [512, 1], strides = [1, 1]} : vector<512x4xf32> to vector<512x1xf32>
    %gt3A_38 = vector.broadcast %slice3A_37 : vector<512x1xf32> to vector<512x4xf32>
    %gt3A_39 = arith.cmpf ogt, %gt3A_38, %concatenate3A : vector<512x4xf32>
    %convert_element_type3A_40 = arith.extui %gt3A_39 : vector<512x4xi1> to vector<512x4xi32>
    %eq3A_41 = vector.broadcast %slice3A_37 : vector<512x1xf32> to vector<512x4xf32>
    %eq3A_42 = arith.cmpf oeq, %eq3A_41, %concatenate3A : vector<512x4xf32>
    %convert_element_type3A_43 = arith.extui %eq3A_42 : vector<512x4xi1> to vector<512x4xi32>
    %iota3A_44 = tpu.iota {dimensions = array<i32: 1>} : vector<1x4xi32>
    %iota3A_45 = vector.shape_cast %iota3A_44 : vector<1x4xi32> to vector<4xi32>
    %broadcast_in_dim3A_46 = vector.shape_cast %iota3A_45 : vector<4xi32> to vector<1x4xi32>
    %gt3A_47 = arith.constant 1 : i32
    %gt3A_48 = vector.broadcast %gt3A_47 : i32 to vector<1x4xi32>
    %gt3A_49 = arith.cmpi sgt, %broadcast_in_dim3A_46, %gt3A_48 : vector<1x4xi32>
    %convert_element_type3A_50 = arith.extui %gt3A_49 : vector<1x4xi1> to vector<1x4xi32>
    %add3A_51 = arith.addi %add3A_36, %convert_element_type3A_40 : vector<512x4xi32>
    %mul3A_52 = vector.broadcast %convert_element_type3A_50 : vector<1x4xi32> to vector<512x4xi32>
    %mul3A_53 = arith.muli %convert_element_type3A_43, %mul3A_52 : vector<512x4xi32>
    %add3A_54 = arith.addi %add3A_51, %mul3A_53 : vector<512x4xi32>
    %slice3A_55 = vector.extract_strided_slice %concatenate3A {offsets = [0, 2], sizes = [512, 1], strides = [1, 1]} : vector<512x4xf32> to vector<512x1xf32>
    %gt3A_56 = vector.broadcast %slice3A_55 : vector<512x1xf32> to vector<512x4xf32>
    %gt3A_57 = arith.cmpf ogt, %gt3A_56, %concatenate3A : vector<512x4xf32>
    %convert_element_type3A_58 = arith.extui %gt3A_57 : vector<512x4xi1> to vector<512x4xi32>
    %eq3A_59 = vector.broadcast %slice3A_55 : vector<512x1xf32> to vector<512x4xf32>
    %eq3A_60 = arith.cmpf oeq, %eq3A_59, %concatenate3A : vector<512x4xf32>
    %convert_element_type3A_61 = arith.extui %eq3A_60 : vector<512x4xi1> to vector<512x4xi32>
    %iota3A_62 = tpu.iota {dimensions = array<i32: 1>} : vector<1x4xi32>
    %iota3A_63 = vector.shape_cast %iota3A_62 : vector<1x4xi32> to vector<4xi32>
    %broadcast_in_dim3A_64 = vector.shape_cast %iota3A_63 : vector<4xi32> to vector<1x4xi32>
    %gt3A_65 = arith.constant 2 : i32
    %gt3A_66 = vector.broadcast %gt3A_65 : i32 to vector<1x4xi32>
    %gt3A_67 = arith.cmpi sgt, %broadcast_in_dim3A_64, %gt3A_66 : vector<1x4xi32>
    %convert_element_type3A_68 = arith.extui %gt3A_67 : vector<1x4xi1> to vector<1x4xi32>
    %add3A_69 = arith.addi %add3A_54, %convert_element_type3A_58 : vector<512x4xi32>
    %mul3A_70 = vector.broadcast %convert_element_type3A_68 : vector<1x4xi32> to vector<512x4xi32>
    %mul3A_71 = arith.muli %convert_element_type3A_61, %mul3A_70 : vector<512x4xi32>
    %add3A_72 = arith.addi %add3A_69, %mul3A_71 : vector<512x4xi32>
    %slice3A_73 = vector.extract_strided_slice %concatenate3A {offsets = [0, 3], sizes = [512, 1], strides = [1, 1]} : vector<512x4xf32> to vector<512x1xf32>
    %gt3A_74 = vector.broadcast %slice3A_73 : vector<512x1xf32> to vector<512x4xf32>
    %gt3A_75 = arith.cmpf ogt, %gt3A_74, %concatenate3A : vector<512x4xf32>
    %convert_element_type3A_76 = arith.extui %gt3A_75 : vector<512x4xi1> to vector<512x4xi32>
    %eq3A_77 = vector.broadcast %slice3A_73 : vector<512x1xf32> to vector<512x4xf32>
    %eq3A_78 = arith.cmpf oeq, %eq3A_77, %concatenate3A : vector<512x4xf32>
    %convert_element_type3A_79 = arith.extui %eq3A_78 : vector<512x4xi1> to vector<512x4xi32>
    %iota3A_80 = tpu.iota {dimensions = array<i32: 1>} : vector<1x4xi32>
    %iota3A_81 = vector.shape_cast %iota3A_80 : vector<1x4xi32> to vector<4xi32>
    %broadcast_in_dim3A_82 = vector.shape_cast %iota3A_81 : vector<4xi32> to vector<1x4xi32>
    %gt3A_83 = arith.constant 3 : i32
    %gt3A_84 = vector.broadcast %gt3A_83 : i32 to vector<1x4xi32>
    %gt3A_85 = arith.cmpi sgt, %broadcast_in_dim3A_82, %gt3A_84 : vector<1x4xi32>
    %convert_element_type3A_86 = arith.extui %gt3A_85 : vector<1x4xi1> to vector<1x4xi32>
    %add3A_87 = arith.addi %add3A_72, %convert_element_type3A_76 : vector<512x4xi32>
    %mul3A_88 = vector.broadcast %convert_element_type3A_86 : vector<1x4xi32> to vector<512x4xi32>
    %mul3A_89 = arith.muli %convert_element_type3A_79, %mul3A_88 : vector<512x4xi32>
    %add3A_90 = arith.addi %add3A_87, %mul3A_89 : vector<512x4xi32>
    %lt3A = arith.constant 2 : i32
    %lt3A_91 = vector.broadcast %lt3A : i32 to vector<512x4xi32>
    %lt3A_92 = arith.cmpi slt, %add3A_90, %lt3A_91 : vector<512x4xi32>
    %convert_element_type3A_93 = arith.extui %lt3A_92 : vector<512x4xi1> to vector<512x4xi32>
    %convert_element_type3A_94 = arith.sitofp %convert_element_type3A_93 : vector<512x4xi32> to vector<512x4xf32>
    %slice3A_95 = vector.extract_strided_slice %convert_element_type3A_94 {offsets = [0, 0], sizes = [512, 1], strides = [1, 1]} : vector<512x4xf32> to vector<512x1xf32>
    %slice3A_96 = vector.extract_strided_slice %convert_element_type3A_94 {offsets = [0, 0], sizes = [512, 1], strides = [1, 1]} : vector<512x4xf32> to vector<512x1xf32>
    %slice3A_97 = vector.extract_strided_slice %convert_element_type3A_94 {offsets = [0, 1], sizes = [512, 1], strides = [1, 1]} : vector<512x4xf32> to vector<512x1xf32>
    %slice3A_98 = vector.extract_strided_slice %convert_element_type3A_94 {offsets = [0, 1], sizes = [512, 1], strides = [1, 1]} : vector<512x4xf32> to vector<512x1xf32>
    %slice3A_99 = vector.extract_strided_slice %convert_element_type3A_94 {offsets = [0, 2], sizes = [512, 1], strides = [1, 1]} : vector<512x4xf32> to vector<512x1xf32>
    %slice3A_100 = vector.extract_strided_slice %convert_element_type3A_94 {offsets = [0, 2], sizes = [512, 1], strides = [1, 1]} : vector<512x4xf32> to vector<512x1xf32>
    %slice3A_101 = vector.extract_strided_slice %convert_element_type3A_94 {offsets = [0, 3], sizes = [512, 1], strides = [1, 1]} : vector<512x4xf32> to vector<512x1xf32>
    %slice3A_102 = vector.extract_strided_slice %convert_element_type3A_94 {offsets = [0, 3], sizes = [512, 1], strides = [1, 1]} : vector<512x4xf32> to vector<512x1xf32>
    %concatenate3A_103 = tpu.concatenate %slice3A_95, %slice3A_96, %slice3A_97, %slice3A_98, %slice3A_99, %slice3A_100, %slice3A_101, %slice3A_102 in 1 : vector<512x1xf32>, vector<512x1xf32>, vector<512x1xf32>, vector<512x1xf32>, vector<512x1xf32>, vector<512x1xf32>, vector<512x1xf32>, vector<512x1xf32> -> vector<512x8xf32>
    %mul3A_104 = arith.mulf %add3A_9, %concatenate3A_103 : vector<512x8xf32>
    %broadcast_in_dim3A_105 = arith.constant 0 : i32
    %broadcast_in_dim3A_106 = vector.broadcast %broadcast_in_dim3A_105 : i32 to vector<512x8xi32>
    %slice3A_107 = vector.extract_strided_slice %mul3A_104 {offsets = [0, 0], sizes = [512, 1], strides = [1, 1]} : vector<512x8xf32> to vector<512x1xf32>
    %gt3A_108 = vector.broadcast %slice3A_107 : vector<512x1xf32> to vector<512x8xf32>
    %gt3A_109 = arith.cmpf ogt, %gt3A_108, %mul3A_104 : vector<512x8xf32>
    %convert_element_type3A_110 = arith.extui %gt3A_109 : vector<512x8xi1> to vector<512x8xi32>
    %eq3A_111 = vector.broadcast %slice3A_107 : vector<512x1xf32> to vector<512x8xf32>
    %eq3A_112 = arith.cmpf oeq, %eq3A_111, %mul3A_104 : vector<512x8xf32>
    %convert_element_type3A_113 = arith.extui %eq3A_112 : vector<512x8xi1> to vector<512x8xi32>
    %iota3A_114 = tpu.iota {dimensions = array<i32: 1>} : vector<1x8xi32>
    %iota3A_115 = vector.shape_cast %iota3A_114 : vector<1x8xi32> to vector<8xi32>
    %broadcast_in_dim3A_116 = vector.shape_cast %iota3A_115 : vector<8xi32> to vector<1x8xi32>
    %gt3A_117 = arith.constant 0 : i32
    %gt3A_118 = vector.broadcast %gt3A_117 : i32 to vector<1x8xi32>
    %gt3A_119 = arith.cmpi sgt, %broadcast_in_dim3A_116, %gt3A_118 : vector<1x8xi32>
    %convert_element_type3A_120 = arith.extui %gt3A_119 : vector<1x8xi1> to vector<1x8xi32>
    %add3A_121 = arith.addi %broadcast_in_dim3A_106, %convert_element_type3A_110 : vector<512x8xi32>
    %mul3A_122 = vector.broadcast %convert_element_type3A_120 : vector<1x8xi32> to vector<512x8xi32>
    %mul3A_123 = arith.muli %convert_element_type3A_113, %mul3A_122 : vector<512x8xi32>
    %add3A_124 = arith.addi %add3A_121, %mul3A_123 : vector<512x8xi32>
    %slice3A_125 = vector.extract_strided_slice %mul3A_104 {offsets = [0, 1], sizes = [512, 1], strides = [1, 1]} : vector<512x8xf32> to vector<512x1xf32>
    %gt3A_126 = vector.broadcast %slice3A_125 : vector<512x1xf32> to vector<512x8xf32>
    %gt3A_127 = arith.cmpf ogt, %gt3A_126, %mul3A_104 : vector<512x8xf32>
    %convert_element_type3A_128 = arith.extui %gt3A_127 : vector<512x8xi1> to vector<512x8xi32>
    %eq3A_129 = vector.broadcast %slice3A_125 : vector<512x1xf32> to vector<512x8xf32>
    %eq3A_130 = arith.cmpf oeq, %eq3A_129, %mul3A_104 : vector<512x8xf32>
    %convert_element_type3A_131 = arith.extui %eq3A_130 : vector<512x8xi1> to vector<512x8xi32>
    %iota3A_132 = tpu.iota {dimensions = array<i32: 1>} : vector<1x8xi32>
    %iota3A_133 = vector.shape_cast %iota3A_132 : vector<1x8xi32> to vector<8xi32>
    %broadcast_in_dim3A_134 = vector.shape_cast %iota3A_133 : vector<8xi32> to vector<1x8xi32>
    %gt3A_135 = arith.constant 1 : i32
    %gt3A_136 = vector.broadcast %gt3A_135 : i32 to vector<1x8xi32>
    %gt3A_137 = arith.cmpi sgt, %broadcast_in_dim3A_134, %gt3A_136 : vector<1x8xi32>
    %convert_element_type3A_138 = arith.extui %gt3A_137 : vector<1x8xi1> to vector<1x8xi32>
    %add3A_139 = arith.addi %add3A_124, %convert_element_type3A_128 : vector<512x8xi32>
    %mul3A_140 = vector.broadcast %convert_element_type3A_138 : vector<1x8xi32> to vector<512x8xi32>
    %mul3A_141 = arith.muli %convert_element_type3A_131, %mul3A_140 : vector<512x8xi32>
    %add3A_142 = arith.addi %add3A_139, %mul3A_141 : vector<512x8xi32>
    %slice3A_143 = vector.extract_strided_slice %mul3A_104 {offsets = [0, 2], sizes = [512, 1], strides = [1, 1]} : vector<512x8xf32> to vector<512x1xf32>
    %gt3A_144 = vector.broadcast %slice3A_143 : vector<512x1xf32> to vector<512x8xf32>
    %gt3A_145 = arith.cmpf ogt, %gt3A_144, %mul3A_104 : vector<512x8xf32>
    %convert_element_type3A_146 = arith.extui %gt3A_145 : vector<512x8xi1> to vector<512x8xi32>
    %eq3A_147 = vector.broadcast %slice3A_143 : vector<512x1xf32> to vector<512x8xf32>
    %eq3A_148 = arith.cmpf oeq, %eq3A_147, %mul3A_104 : vector<512x8xf32>
    %convert_element_type3A_149 = arith.extui %eq3A_148 : vector<512x8xi1> to vector<512x8xi32>
    %iota3A_150 = tpu.iota {dimensions = array<i32: 1>} : vector<1x8xi32>
    %iota3A_151 = vector.shape_cast %iota3A_150 : vector<1x8xi32> to vector<8xi32>
    %broadcast_in_dim3A_152 = vector.shape_cast %iota3A_151 : vector<8xi32> to vector<1x8xi32>
    %gt3A_153 = arith.constant 2 : i32
    %gt3A_154 = vector.broadcast %gt3A_153 : i32 to vector<1x8xi32>
    %gt3A_155 = arith.cmpi sgt, %broadcast_in_dim3A_152, %gt3A_154 : vector<1x8xi32>
    %convert_element_type3A_156 = arith.extui %gt3A_155 : vector<1x8xi1> to vector<1x8xi32>
    %add3A_157 = arith.addi %add3A_142, %convert_element_type3A_146 : vector<512x8xi32>
    %mul3A_158 = vector.broadcast %convert_element_type3A_156 : vector<1x8xi32> to vector<512x8xi32>
    %mul3A_159 = arith.muli %convert_element_type3A_149, %mul3A_158 : vector<512x8xi32>
    %add3A_160 = arith.addi %add3A_157, %mul3A_159 : vector<512x8xi32>
    %slice3A_161 = vector.extract_strided_slice %mul3A_104 {offsets = [0, 3], sizes = [512, 1], strides = [1, 1]} : vector<512x8xf32> to vector<512x1xf32>
    %gt3A_162 = vector.broadcast %slice3A_161 : vector<512x1xf32> to vector<512x8xf32>
    %gt3A_163 = arith.cmpf ogt, %gt3A_162, %mul3A_104 : vector<512x8xf32>
    %convert_element_type3A_164 = arith.extui %gt3A_163 : vector<512x8xi1> to vector<512x8xi32>
    %eq3A_165 = vector.broadcast %slice3A_161 : vector<512x1xf32> to vector<512x8xf32>
    %eq3A_166 = arith.cmpf oeq, %eq3A_165, %mul3A_104 : vector<512x8xf32>
    %convert_element_type3A_167 = arith.extui %eq3A_166 : vector<512x8xi1> to vector<512x8xi32>
    %iota3A_168 = tpu.iota {dimensions = array<i32: 1>} : vector<1x8xi32>
    %iota3A_169 = vector.shape_cast %iota3A_168 : vector<1x8xi32> to vector<8xi32>
    %broadcast_in_dim3A_170 = vector.shape_cast %iota3A_169 : vector<8xi32> to vector<1x8xi32>
    %gt3A_171 = arith.constant 3 : i32
    %gt3A_172 = vector.broadcast %gt3A_171 : i32 to vector<1x8xi32>
    %gt3A_173 = arith.cmpi sgt, %broadcast_in_dim3A_170, %gt3A_172 : vector<1x8xi32>
    %convert_element_type3A_174 = arith.extui %gt3A_173 : vector<1x8xi1> to vector<1x8xi32>
    %add3A_175 = arith.addi %add3A_160, %convert_element_type3A_164 : vector<512x8xi32>
    %mul3A_176 = vector.broadcast %convert_element_type3A_174 : vector<1x8xi32> to vector<512x8xi32>
    %mul3A_177 = arith.muli %convert_element_type3A_167, %mul3A_176 : vector<512x8xi32>
    %add3A_178 = arith.addi %add3A_175, %mul3A_177 : vector<512x8xi32>
    %slice3A_179 = vector.extract_strided_slice %mul3A_104 {offsets = [0, 4], sizes = [512, 1], strides = [1, 1]} : vector<512x8xf32> to vector<512x1xf32>
    %gt3A_180 = vector.broadcast %slice3A_179 : vector<512x1xf32> to vector<512x8xf32>
    %gt3A_181 = arith.cmpf ogt, %gt3A_180, %mul3A_104 : vector<512x8xf32>
    %convert_element_type3A_182 = arith.extui %gt3A_181 : vector<512x8xi1> to vector<512x8xi32>
    %eq3A_183 = vector.broadcast %slice3A_179 : vector<512x1xf32> to vector<512x8xf32>
    %eq3A_184 = arith.cmpf oeq, %eq3A_183, %mul3A_104 : vector<512x8xf32>
    %convert_element_type3A_185 = arith.extui %eq3A_184 : vector<512x8xi1> to vector<512x8xi32>
    %iota3A_186 = tpu.iota {dimensions = array<i32: 1>} : vector<1x8xi32>
    %iota3A_187 = vector.shape_cast %iota3A_186 : vector<1x8xi32> to vector<8xi32>
    %broadcast_in_dim3A_188 = vector.shape_cast %iota3A_187 : vector<8xi32> to vector<1x8xi32>
    %gt3A_189 = arith.constant 4 : i32
    %gt3A_190 = vector.broadcast %gt3A_189 : i32 to vector<1x8xi32>
    %gt3A_191 = arith.cmpi sgt, %broadcast_in_dim3A_188, %gt3A_190 : vector<1x8xi32>
    %convert_element_type3A_192 = arith.extui %gt3A_191 : vector<1x8xi1> to vector<1x8xi32>
    %add3A_193 = arith.addi %add3A_178, %convert_element_type3A_182 : vector<512x8xi32>
    %mul3A_194 = vector.broadcast %convert_element_type3A_192 : vector<1x8xi32> to vector<512x8xi32>
    %mul3A_195 = arith.muli %convert_element_type3A_185, %mul3A_194 : vector<512x8xi32>
    %add3A_196 = arith.addi %add3A_193, %mul3A_195 : vector<512x8xi32>
    %slice3A_197 = vector.extract_strided_slice %mul3A_104 {offsets = [0, 5], sizes = [512, 1], strides = [1, 1]} : vector<512x8xf32> to vector<512x1xf32>
    %gt3A_198 = vector.broadcast %slice3A_197 : vector<512x1xf32> to vector<512x8xf32>
    %gt3A_199 = arith.cmpf ogt, %gt3A_198, %mul3A_104 : vector<512x8xf32>
    %convert_element_type3A_200 = arith.extui %gt3A_199 : vector<512x8xi1> to vector<512x8xi32>
    %eq3A_201 = vector.broadcast %slice3A_197 : vector<512x1xf32> to vector<512x8xf32>
    %eq3A_202 = arith.cmpf oeq, %eq3A_201, %mul3A_104 : vector<512x8xf32>
    %convert_element_type3A_203 = arith.extui %eq3A_202 : vector<512x8xi1> to vector<512x8xi32>
    %iota3A_204 = tpu.iota {dimensions = array<i32: 1>} : vector<1x8xi32>
    %iota3A_205 = vector.shape_cast %iota3A_204 : vector<1x8xi32> to vector<8xi32>
    %broadcast_in_dim3A_206 = vector.shape_cast %iota3A_205 : vector<8xi32> to vector<1x8xi32>
    %gt3A_207 = arith.constant 5 : i32
    %gt3A_208 = vector.broadcast %gt3A_207 : i32 to vector<1x8xi32>
    %gt3A_209 = arith.cmpi sgt, %broadcast_in_dim3A_206, %gt3A_208 : vector<1x8xi32>
    %convert_element_type3A_210 = arith.extui %gt3A_209 : vector<1x8xi1> to vector<1x8xi32>
    %add3A_211 = arith.addi %add3A_196, %convert_element_type3A_200 : vector<512x8xi32>
    %mul3A_212 = vector.broadcast %convert_element_type3A_210 : vector<1x8xi32> to vector<512x8xi32>
    %mul3A_213 = arith.muli %convert_element_type3A_203, %mul3A_212 : vector<512x8xi32>
    %add3A_214 = arith.addi %add3A_211, %mul3A_213 : vector<512x8xi32>
    %slice3A_215 = vector.extract_strided_slice %mul3A_104 {offsets = [0, 6], sizes = [512, 1], strides = [1, 1]} : vector<512x8xf32> to vector<512x1xf32>
    %gt3A_216 = vector.broadcast %slice3A_215 : vector<512x1xf32> to vector<512x8xf32>
    %gt3A_217 = arith.cmpf ogt, %gt3A_216, %mul3A_104 : vector<512x8xf32>
    %convert_element_type3A_218 = arith.extui %gt3A_217 : vector<512x8xi1> to vector<512x8xi32>
    %eq3A_219 = vector.broadcast %slice3A_215 : vector<512x1xf32> to vector<512x8xf32>
    %eq3A_220 = arith.cmpf oeq, %eq3A_219, %mul3A_104 : vector<512x8xf32>
    %convert_element_type3A_221 = arith.extui %eq3A_220 : vector<512x8xi1> to vector<512x8xi32>
    %iota3A_222 = tpu.iota {dimensions = array<i32: 1>} : vector<1x8xi32>
    %iota3A_223 = vector.shape_cast %iota3A_222 : vector<1x8xi32> to vector<8xi32>
    %broadcast_in_dim3A_224 = vector.shape_cast %iota3A_223 : vector<8xi32> to vector<1x8xi32>
    %gt3A_225 = arith.constant 6 : i32
    %gt3A_226 = vector.broadcast %gt3A_225 : i32 to vector<1x8xi32>
    %gt3A_227 = arith.cmpi sgt, %broadcast_in_dim3A_224, %gt3A_226 : vector<1x8xi32>
    %convert_element_type3A_228 = arith.extui %gt3A_227 : vector<1x8xi1> to vector<1x8xi32>
    %add3A_229 = arith.addi %add3A_214, %convert_element_type3A_218 : vector<512x8xi32>
    %mul3A_230 = vector.broadcast %convert_element_type3A_228 : vector<1x8xi32> to vector<512x8xi32>
    %mul3A_231 = arith.muli %convert_element_type3A_221, %mul3A_230 : vector<512x8xi32>
    %add3A_232 = arith.addi %add3A_229, %mul3A_231 : vector<512x8xi32>
    %slice3A_233 = vector.extract_strided_slice %mul3A_104 {offsets = [0, 7], sizes = [512, 1], strides = [1, 1]} : vector<512x8xf32> to vector<512x1xf32>
    %gt3A_234 = vector.broadcast %slice3A_233 : vector<512x1xf32> to vector<512x8xf32>
    %gt3A_235 = arith.cmpf ogt, %gt3A_234, %mul3A_104 : vector<512x8xf32>
    %convert_element_type3A_236 = arith.extui %gt3A_235 : vector<512x8xi1> to vector<512x8xi32>
    %eq3A_237 = vector.broadcast %slice3A_233 : vector<512x1xf32> to vector<512x8xf32>
    %eq3A_238 = arith.cmpf oeq, %eq3A_237, %mul3A_104 : vector<512x8xf32>
    %convert_element_type3A_239 = arith.extui %eq3A_238 : vector<512x8xi1> to vector<512x8xi32>
    %iota3A_240 = tpu.iota {dimensions = array<i32: 1>} : vector<1x8xi32>
    %iota3A_241 = vector.shape_cast %iota3A_240 : vector<1x8xi32> to vector<8xi32>
    %broadcast_in_dim3A_242 = vector.shape_cast %iota3A_241 : vector<8xi32> to vector<1x8xi32>
    %gt3A_243 = arith.constant 7 : i32
    %gt3A_244 = vector.broadcast %gt3A_243 : i32 to vector<1x8xi32>
    %gt3A_245 = arith.cmpi sgt, %broadcast_in_dim3A_242, %gt3A_244 : vector<1x8xi32>
    %convert_element_type3A_246 = arith.extui %gt3A_245 : vector<1x8xi1> to vector<1x8xi32>
    %add3A_247 = arith.addi %add3A_232, %convert_element_type3A_236 : vector<512x8xi32>
    %mul3A_248 = vector.broadcast %convert_element_type3A_246 : vector<1x8xi32> to vector<512x8xi32>
    %mul3A_249 = arith.muli %convert_element_type3A_239, %mul3A_248 : vector<512x8xi32>
    %add3A_250 = arith.addi %add3A_247, %mul3A_249 : vector<512x8xi32>
    %eq3A_251 = arith.constant 0 : i32
    %eq3A_252 = vector.broadcast %eq3A_251 : i32 to vector<512x8xi32>
    %eq3A_253 = arith.cmpi eq, %add3A_250, %eq3A_252 : vector<512x8xi32>
    %convert_element_type3A_254 = arith.extui %eq3A_253 : vector<512x8xi1> to vector<512x8xi32>
    %convert_element_type3A_255 = arith.sitofp %convert_element_type3A_254 : vector<512x8xi32> to vector<512x8xf32>
    %eq3A_256 = arith.constant 1 : i32
    %eq3A_257 = vector.broadcast %eq3A_256 : i32 to vector<512x8xi32>
    %eq3A_258 = arith.cmpi eq, %add3A_250, %eq3A_257 : vector<512x8xi32>
    %convert_element_type3A_259 = arith.extui %eq3A_258 : vector<512x8xi1> to vector<512x8xi32>
    %convert_element_type3A_260 = arith.sitofp %convert_element_type3A_259 : vector<512x8xi32> to vector<512x8xf32>
    %mul3A_261 = arith.mulf %convert_element_type3A_255, %get3A_5 : vector<512x8xf32>
    %reduce_sum3A = arith.constant dense<0.000000e+00> : vector<512xf32>
    %reduce_sum3A_262 = vector.multi_reduction <add>, %mul3A_261, %reduce_sum3A [1] : vector<512x8xf32> to vector<512xf32>
    %broadcast_in_dim3A_263 = vector.shape_cast %reduce_sum3A_262 : vector<512xf32> to vector<512x1xf32>
    %mul3A_264 = arith.mulf %convert_element_type3A_260, %get3A_5 : vector<512x8xf32>
    %reduce_sum3A_265 = arith.constant dense<0.000000e+00> : vector<512xf32>
    %reduce_sum3A_266 = vector.multi_reduction <add>, %mul3A_264, %reduce_sum3A_265 [1] : vector<512x8xf32> to vector<512xf32>
    %broadcast_in_dim3A_267 = vector.shape_cast %reduce_sum3A_266 : vector<512xf32> to vector<512x1xf32>
    %add3A_268 = arith.addf %broadcast_in_dim3A_263, %broadcast_in_dim3A_267 : vector<512x1xf32>
    %div3A = arith.constant 2.500000e+00 : f32
    %div3A_269 = vector.broadcast %div3A : f32 to vector<512x1xf32>
    %div3A_270 = arith.divf %div3A_269, %add3A_268 : vector<512x1xf32>
    %mul3A_271 = arith.mulf %broadcast_in_dim3A_263, %div3A_270 : vector<512x1xf32>
    %mul3A_272 = arith.mulf %broadcast_in_dim3A_267, %div3A_270 : vector<512x1xf32>
    %add3A_273 = arith.addf %convert_element_type3A_255, %convert_element_type3A_260 : vector<512x8xf32>
    %eq3A_274 = arith.constant 0 : i32
    %eq3A_275 = arith.cmpi eq, %arg0, %eq3A_274 : i32
    %convert_element_type3A_276 = arith.extui %eq3A_275 : i1 to i32
    %cond3A_277 = arith.constant 0 : i32
    %cond3A_278 = arith.cmpi ne, %convert_element_type3A_276, %cond3A_277 : i32
    scf.if %cond3A_278 {
      %get3A_284 = arith.constant 0 : index
      %get3A_285 = arith.constant 0 : index
      %get3A_286 = vector.load %arg8[%get3A_284, %get3A_285] : memref<1x8xf32, #tpu.memory_space<vmem>>, vector<1x8xf32>
      %reduce_sum3A_287 = arith.constant dense<0.000000e+00> : vector<8xf32>
      %reduce_sum3A_288 = vector.multi_reduction <add>, %add3A_273, %reduce_sum3A_287 [0] : vector<512x8xf32> to vector<8xf32>
      %broadcast_in_dim3A_289 = vector.shape_cast %reduce_sum3A_288 : vector<8xf32> to vector<1x8xf32>
      %add3A_290 = arith.addf %get3A_286, %broadcast_in_dim3A_289 : vector<1x8xf32>
      %swap3A = arith.constant 0 : index
      %swap3A_291 = arith.constant 0 : index
      %swap3A_292 = vector.load %arg8[%swap3A, %swap3A_291] : memref<1x8xf32, #tpu.memory_space<vmem>>, vector<1x8xf32>
      tpu.vector_store %arg8[%swap3A, %swap3A_291], %add3A_290 {strides = array<i32>} : memref<1x8xf32, #tpu.memory_space<vmem>>, vector<1x8xf32>,
      %eq3A_293 = arith.constant 7 : i32
      %eq3A_294 = arith.cmpi eq, %arg1, %eq3A_293 : i32
      %convert_element_type3A_295 = arith.extui %eq3A_294 : i1 to i32
      %cond3A_296 = arith.constant 0 : i32
      %cond3A_297 = arith.cmpi ne, %convert_element_type3A_295, %cond3A_296 : i32
      scf.if %cond3A_297 {
        %get3A_298 = arith.constant 0 : index
        %get3A_299 = arith.constant 0 : index
        %get3A_300 = vector.load %arg8[%get3A_298, %get3A_299] : memref<1x8xf32, #tpu.memory_space<vmem>>, vector<1x8xf32>
        %div3A_301 = arith.constant 2.560000e+02 : f32
        %div3A_302 = vector.broadcast %div3A_301 : f32 to vector<1x8xf32>
        %div3A_303 = arith.divf %get3A_300, %div3A_302 : vector<1x8xf32>
        %ceil3A = math.ceil %div3A_303 : vector<1x8xf32>
        %iota3A_304 = tpu.iota {dimensions = array<i32: 1>} : vector<1x8xi32>
        %iota3A_305 = vector.shape_cast %iota3A_304 : vector<1x8xi32> to vector<8xi32>
        %broadcast_in_dim3A_306 = vector.shape_cast %iota3A_305 : vector<8xi32> to vector<8x1xi32>
        %broadcast_in_dim3A_307 = vector.shape_cast %iota3A_305 : vector<8xi32> to vector<1x8xi32>
        %lt3A_308 = vector.broadcast %broadcast_in_dim3A_306 : vector<8x1xi32> to vector<8x8xi32>
        %lt3A_309 = vector.broadcast %broadcast_in_dim3A_307 : vector<1x8xi32> to vector<8x8xi32>
        %lt3A_310 = arith.cmpi slt, %lt3A_308, %lt3A_309 : vector<8x8xi32>
        %convert_element_type3A_311 = arith.extui %lt3A_310 : vector<8x8xi1> to vector<8x8xi32>
        %convert_element_type3A_312 = arith.sitofp %convert_element_type3A_311 : vector<8x8xi32> to vector<8x8xf32>
        %dot_general3A = arith.constant dense<0.000000e+00> : vector<1x8xf32>
        %dot_general3A_313 = tpu.matmul %ceil3A, %convert_element_type3A_312, %dot_general3A {dimension_numbers = #tpu.dot_dimension_numbers<[1], [0], [0], [1], [0, 0, 1, 1], [], []>, transpose_lhs_hint = false} : vector<1x8xf32>, vector<8x8xf32>, vector<1x8xf32> -> vector<1x8xf32>
        %mul3A_314 = arith.constant 2.560000e+02 : f32
        %mul3A_315 = vector.broadcast %mul3A_314 : f32 to vector<1x8xf32>
        %mul3A_316 = arith.mulf %dot_general3A_313, %mul3A_315 : vector<1x8xf32>
        %swap3A_317 = arith.constant 0 : index
        %swap3A_318 = arith.constant 0 : index
        %swap3A_319 = vector.load %arg9[%swap3A_317, %swap3A_318] : memref<1x8xf32, #tpu.memory_space<vmem>>, vector<1x8xf32>
        tpu.vector_store %arg9[%swap3A_317, %swap3A_318], %mul3A_316 {strides = array<i32>} : memref<1x8xf32, #tpu.memory_space<vmem>>, vector<1x8xf32>,
        %get3A_320 = arith.constant 0 : index
        %get3A_321 = arith.constant 0 : index
        %get3A_322 = vector.load %arg9[%get3A_320, %get3A_321] : memref<1x8xf32, #tpu.memory_space<vmem>>, vector<1x8xf32>
        %swap3A_323 = arith.constant 0 : index
        %swap3A_324 = arith.constant 0 : index
        %swap3A_325 = vector.load %arg7[%swap3A_323, %swap3A_324] : memref<2x8xf32, #tpu.memory_space<vmem>>, vector<1x8xf32>
        tpu.vector_store %arg7[%swap3A_323, %swap3A_324], %get3A_322 {strides = array<i32>} : memref<2x8xf32, #tpu.memory_space<vmem>>, vector<1x8xf32>,
        %get3A_326 = arith.constant 0 : index
        %get3A_327 = arith.constant 0 : index
        %get3A_328 = vector.load %arg9[%get3A_326, %get3A_327] : memref<1x8xf32, #tpu.memory_space<vmem>>, vector<1x8xf32>
        %add3A_329 = arith.addf %get3A_328, %get3A_300 : vector<1x8xf32>
        %swap3A_330 = arith.constant 1 : index
        %swap3A_331 = arith.constant 0 : index
        %swap3A_332 = vector.load %arg7[%swap3A_330, %swap3A_331] : memref<2x8xf32, #tpu.memory_space<vmem>>, vector<1x8xf32>
        tpu.vector_store %arg7[%swap3A_330, %swap3A_331], %add3A_329 {strides = array<i32>} : memref<2x8xf32, #tpu.memory_space<vmem>>, vector<1x8xf32>,
        %broadcast_in_dim3A_333 = arith.constant 0.000000e+00 : f32
        %broadcast_in_dim3A_334 = vector.broadcast %broadcast_in_dim3A_333 : f32 to vector<1x8xf32>
        %swap3A_335 = arith.constant 0 : index
        %swap3A_336 = arith.constant 0 : index
        %swap3A_337 = vector.load %arg8[%swap3A_335, %swap3A_336] : memref<1x8xf32, #tpu.memory_space<vmem>>, vector<1x8xf32>
        tpu.vector_store %arg8[%swap3A_335, %swap3A_336], %broadcast_in_dim3A_334 {strides = array<i32>} : memref<1x8xf32, #tpu.memory_space<vmem>>, vector<1x8xf32>,
      } else {
      }
    } else {
    }
    %eq3A_279 = arith.constant 1 : i32
    %eq3A_280 = arith.cmpi eq, %arg0, %eq3A_279 : i32
    %convert_element_type3A_281 = arith.extui %eq3A_280 : i1 to i32
    %cond3A_282 = arith.constant 0 : i32
    %cond3A_283 = arith.cmpi ne, %convert_element_type3A_281, %cond3A_282 : i32
    scf.if %cond3A_283 {
      %get3A_284 = arith.constant 0 : index
      %get3A_285 = arith.constant 0 : index
      %get3A_286 = vector.load %arg4[%get3A_284, %get3A_285] : memref<512x512xf32, #tpu.memory_space<vmem>>, vector<512x512xf32>
      %dot_general3A = arith.constant dense<0.000000e+00> : vector<512x8xf32>
      %dot_general3A_287 = tpu.matmul %get3A_286, %add3A_273, %dot_general3A {dimension_numbers = #tpu.dot_dimension_numbers<[1], [0], [0], [1], [0, 0, 1, 1], [], []>, transpose_lhs_hint = false} : vector<512x512xf32>, vector<512x8xf32>, vector<512x8xf32> -> vector<512x8xf32>
      %get3A_288 = arith.constant 0 : index
      %get3A_289 = arith.constant 0 : index
      %get3A_290 = vector.load %arg8[%get3A_288, %get3A_289] : memref<1x8xf32, #tpu.memory_space<vmem>>, vector<1x8xf32>
      %add3A_291 = vector.broadcast %get3A_290 : vector<1x8xf32> to vector<512x8xf32>
      %add3A_292 = arith.addf %dot_general3A_287, %add3A_291 : vector<512x8xf32>
      %get3A_293 = arith.constant 0 : index
      %get3A_294 = arith.constant 0 : index
      %get3A_295 = vector.load %arg9[%get3A_293, %get3A_294] : memref<1x8xf32, #tpu.memory_space<vmem>>, vector<1x8xf32>
      %add3A_296 = vector.broadcast %get3A_295 : vector<1x8xf32> to vector<512x8xf32>
      %add3A_297 = arith.addf %add3A_296, %add3A_292 : vector<512x8xf32>
      %mul3A_298 = arith.mulf %convert_element_type3A_255, %add3A_297 : vector<512x8xf32>
      %reduce_sum3A_299 = arith.constant dense<0.000000e+00> : vector<512xf32>
      %reduce_sum3A_300 = vector.multi_reduction <add>, %mul3A_298, %reduce_sum3A_299 [1] : vector<512x8xf32> to vector<512xf32>
      %broadcast_in_dim3A_301 = vector.shape_cast %reduce_sum3A_300 : vector<512xf32> to vector<512x1xf32>
      %mul3A_302 = arith.mulf %convert_element_type3A_260, %add3A_297 : vector<512x8xf32>
      %reduce_sum3A_303 = arith.constant dense<0.000000e+00> : vector<512xf32>
      %reduce_sum3A_304 = vector.multi_reduction <add>, %mul3A_302, %reduce_sum3A_303 [1] : vector<512x8xf32> to vector<512xf32>
      %broadcast_in_dim3A_305 = vector.shape_cast %reduce_sum3A_304 : vector<512xf32> to vector<512x1xf32>
      %concatenate3A_306 = tpu.concatenate %broadcast_in_dim3A_301, %broadcast_in_dim3A_305 in 1 : vector<512x1xf32>, vector<512x1xf32> -> vector<512x2xf32>
      %convert_element_type3A_307 = arith.fptosi %concatenate3A_306 : vector<512x2xf32> to vector<512x2xi32>
      %swap3A = arith.constant 0 : index
      %swap3A_308 = arith.constant 0 : index
      %swap3A_309 = vector.load %arg5[%swap3A, %swap3A_308] : memref<512x2xi32, #tpu.memory_space<vmem>>, vector<512x2xi32>
      tpu.vector_store %arg5[%swap3A, %swap3A_308], %convert_element_type3A_307 {strides = array<i32>} : memref<512x2xi32, #tpu.memory_space<vmem>>, vector<512x2xi32>,
      %concatenate3A_310 = tpu.concatenate %mul3A_271, %mul3A_272 in 1 : vector<512x1xf32>, vector<512x1xf32> -> vector<512x2xf32>
      %swap3A_311 = arith.constant 0 : index
      %swap3A_312 = arith.constant 0 : index
      %swap3A_313 = vector.load %arg6[%swap3A_311, %swap3A_312] : memref<512x2xf32, #tpu.memory_space<vmem>>, vector<512x2xf32>
      tpu.vector_store %arg6[%swap3A_311, %swap3A_312], %concatenate3A_310 {strides = array<i32>} : memref<512x2xf32, #tpu.memory_space<vmem>>, vector<512x2xf32>,
      %get3A_314 = arith.constant 0 : index
      %get3A_315 = arith.constant 0 : index
      %get3A_316 = vector.load %arg8[%get3A_314, %get3A_315] : memref<1x8xf32, #tpu.memory_space<vmem>>, vector<1x8xf32>
      %reduce_sum3A_317 = arith.constant dense<0.000000e+00> : vector<8xf32>
      %reduce_sum3A_318 = vector.multi_reduction <add>, %add3A_273, %reduce_sum3A_317 [0] : vector<512x8xf32> to vector<8xf32>
      %broadcast_in_dim3A_319 = vector.shape_cast %reduce_sum3A_318 : vector<8xf32> to vector<1x8xf32>
      %add3A_320 = arith.addf %get3A_316, %broadcast_in_dim3A_319 : vector<1x8xf32>
      %swap3A_321 = arith.constant 0 : index
      %swap3A_322 = arith.constant 0 : index
      %swap3A_323 = vector.load %arg8[%swap3A_321, %swap3A_322] : memref<1x8xf32, #tpu.memory_space<vmem>>, vector<1x8xf32>
      tpu.vector_store %arg8[%swap3A_321, %swap3A_322], %add3A_320 {strides = array<i32>} : memref<1x8xf32, #tpu.memory_space<vmem>>, vector<1x8xf32>,
    } else {
    }
    return
  }
  func.func @transform_0(%arg0: i32, %arg1: i32) -> (i32, i32) {
    %c0_i32 = arith.constant 0 : i32
    %c0_i32_0 = arith.constant 0 : i32
    return %arg1, %c0_i32 : i32, i32
  }
  func.func @transform_1(%arg0: i32, %arg1: i32) -> (i32, i32) {
    %c0_i32 = arith.constant 0 : i32
    %c0_i32_0 = arith.constant 0 : i32
    %c0_i32_1 = arith.constant 0 : i32
    return %c0_i32, %c0_i32_0 : i32, i32
  }
  func.func @transform_2(%arg0: i32, %arg1: i32) -> (i32, i32) {
    %c0_i32 = arith.constant 0 : i32
    %c0_i32_0 = arith.constant 0 : i32
    %c0_i32_1 = arith.constant 0 : i32
    return %c0_i32, %c0_i32_0 : i32, i32
  }
  func.func @transform_3(%arg0: i32, %arg1: i32) -> (i32, i32) {
    %mul3A = arith.constant 8 : i32
    %mul3A_0 = arith.muli %arg0, %mul3A : i32
    %add3A = arith.addi %mul3A_0, %arg1 : i32
    %c0_i32 = arith.constant 0 : i32
    %c0_i32_1 = arith.constant 0 : i32
    return %add3A, %c0_i32 : i32, i32
  }
  func.func @transform_4(%arg0: i32, %arg1: i32) -> (i32, i32) {
    %mul3A = arith.constant 8 : i32
    %mul3A_0 = arith.muli %arg0, %mul3A : i32
    %add3A = arith.addi %mul3A_0, %arg1 : i32
    %c0_i32 = arith.constant 0 : i32
    %c0_i32_1 = arith.constant 0 : i32
    return %add3A, %c0_i32 : i32, i32
  }
  func.func @transform_5(%arg0: i32, %arg1: i32) -> (i32, i32) {
    %c0_i32 = arith.constant 0 : i32
    %c0_i32_0 = arith.constant 0 : i32
    %c0_i32_1 = arith.constant 0 : i32
    return %c0_i32, %c0_i32_0 : i32, i32
  }
}

module attributes {stable_mosaic.version = 14 : i64} {
  func.func @_grouped_mlp_body(%arg0: i32, %arg1: memref<40xi32, #tpu.memory_space<smem>>, %arg2: memref<256x1024xf32, #tpu.memory_space<vmem>>, %arg3: memref<1x1024x512xbf16, #tpu.memory_space<vmem>>, %arg4: memref<1x1024x512xbf16, #tpu.memory_space<vmem>>, %arg5: memref<1x512x1024xbf16, #tpu.memory_space<vmem>>, %arg6: memref<256x1024xf32, #tpu.memory_space<vmem>>) attributes {dimension_semantics = [#tpu.dimension_semantics<arbitrary>], iteration_bounds = array<i64: 40>, scalar_prefetch = 1 : i64, scratch_operands = 0 : i64, tpu.core_type = #tpu.core_type<tc>, window_params = [{transform_indices = @transform_0, window_bounds = array<i64: 256, 1024>}, {transform_indices = @transform_1, window_bounds = array<i64: 1, 1024, 512>}, {transform_indices = @transform_2, window_bounds = array<i64: 1, 1024, 512>}, {transform_indices = @transform_3, window_bounds = array<i64: 1, 512, 1024>}, {transform_indices = @transform_4, window_bounds = array<i64: 256, 1024>}]} {
    %get3A = arith.constant 0 : index
    %get3A_0 = arith.constant 0 : index
    %get3A_1 = vector.load %arg2[%get3A, %get3A_0] : memref<256x1024xf32, #tpu.memory_space<vmem>>, vector<256x1024xf32>
    %convert_element_type3A = arith.truncf %get3A_1 : vector<256x1024xf32> to vector<256x1024xbf16>
    %get3A_2 = arith.constant 0 : index
    %get3A_3 = arith.constant 0 : index
    %get3A_4 = arith.constant 0 : index
    %get3A_5 = vector.load %arg3[%get3A_2, %get3A_3, %get3A_4] : memref<1x1024x512xbf16, #tpu.memory_space<vmem>>, vector<1x1024x512xbf16>
    %get3A_6 = vector.shape_cast %get3A_5 : vector<1x1024x512xbf16> to vector<1024x512xbf16>
    %dot_general3A = arith.constant dense<0.000000e+00> : vector<256x512xf32>
    %dot_general3A_7 = tpu.matmul %convert_element_type3A, %get3A_6, %dot_general3A {dimension_numbers = #tpu.dot_dimension_numbers<[1], [0], [0], [1], [0, 0, 1, 1], [], []>, transpose_lhs_hint = false} : vector<256x1024xbf16>, vector<1024x512xbf16>, vector<256x512xf32> -> vector<256x512xf32>
    %get3A_8 = arith.constant 0 : index
    %get3A_9 = arith.constant 0 : index
    %get3A_10 = arith.constant 0 : index
    %get3A_11 = vector.load %arg4[%get3A_8, %get3A_9, %get3A_10] : memref<1x1024x512xbf16, #tpu.memory_space<vmem>>, vector<1x1024x512xbf16>
    %get3A_12 = vector.shape_cast %get3A_11 : vector<1x1024x512xbf16> to vector<1024x512xbf16>
    %dot_general3A_13 = arith.constant dense<0.000000e+00> : vector<256x512xf32>
    %dot_general3A_14 = tpu.matmul %convert_element_type3A, %get3A_12, %dot_general3A_13 {dimension_numbers = #tpu.dot_dimension_numbers<[1], [0], [0], [1], [0, 0, 1, 1], [], []>, transpose_lhs_hint = false} : vector<256x1024xbf16>, vector<1024x512xbf16>, vector<256x512xf32> -> vector<256x512xf32>
    %logistic3A = arith.negf %dot_general3A_7 : vector<256x512xf32>
    %logistic3A_15 = math.exp %logistic3A : vector<256x512xf32>
    %logistic3A_16 = arith.constant 1.000000e+00 : f32
    %logistic3A_17 = vector.broadcast %logistic3A_16 : f32 to vector<256x512xf32>
    %logistic3A_18 = arith.addf %logistic3A_17, %logistic3A_15 : vector<256x512xf32>
    %logistic3A_19 = arith.divf %logistic3A_17, %logistic3A_18 : vector<256x512xf32>
    %mul3A = arith.mulf %dot_general3A_7, %logistic3A_19 : vector<256x512xf32>
    %mul3A_20 = arith.mulf %mul3A, %dot_general3A_14 : vector<256x512xf32>
    %convert_element_type3A_21 = arith.truncf %mul3A_20 : vector<256x512xf32> to vector<256x512xbf16>
    %get3A_22 = arith.constant 0 : index
    %get3A_23 = arith.constant 0 : index
    %get3A_24 = arith.constant 0 : index
    %get3A_25 = vector.load %arg5[%get3A_22, %get3A_23, %get3A_24] : memref<1x512x1024xbf16, #tpu.memory_space<vmem>>, vector<1x512x1024xbf16>
    %get3A_26 = vector.shape_cast %get3A_25 : vector<1x512x1024xbf16> to vector<512x1024xbf16>
    %dot_general3A_27 = arith.constant dense<0.000000e+00> : vector<256x1024xf32>
    %dot_general3A_28 = tpu.matmul %convert_element_type3A_21, %get3A_26, %dot_general3A_27 {dimension_numbers = #tpu.dot_dimension_numbers<[1], [0], [0], [1], [0, 0, 1, 1], [], []>, transpose_lhs_hint = false} : vector<256x512xbf16>, vector<512x1024xbf16>, vector<256x1024xf32> -> vector<256x1024xf32>
    %swap3A = arith.constant 0 : index
    %swap3A_29 = arith.constant 0 : index
    %swap3A_30 = vector.load %arg6[%swap3A, %swap3A_29] : memref<256x1024xf32, #tpu.memory_space<vmem>>, vector<256x1024xf32>
    tpu.vector_store %arg6[%swap3A, %swap3A_29], %dot_general3A_28 {strides = array<i32>} : memref<256x1024xf32, #tpu.memory_space<vmem>>, vector<256x1024xf32>,
    return
  }
  func.func @transform_0(%arg0: i32, %arg1: memref<40xi32, #tpu.memory_space<smem>>) -> (i32, i32) {
    %c0_i32 = arith.constant 0 : i32
    %c0_i32_0 = arith.constant 0 : i32
    return %arg0, %c0_i32 : i32, i32
  }
  func.func @transform_1(%arg0: i32, %arg1: memref<40xi32, #tpu.memory_space<smem>>) -> (i32, i32, i32) {
    %get3A = arith.index_cast %arg0 : i32 to index
    %get3A_0 = memref.load %arg1[%get3A] : memref<40xi32, #tpu.memory_space<smem>>
    %c0_i32 = arith.constant 0 : i32
    %c0_i32_1 = arith.constant 0 : i32
    %c0_i32_2 = arith.constant 0 : i32
    return %get3A_0, %c0_i32, %c0_i32_1 : i32, i32, i32
  }
  func.func @transform_2(%arg0: i32, %arg1: memref<40xi32, #tpu.memory_space<smem>>) -> (i32, i32, i32) {
    %get3A = arith.index_cast %arg0 : i32 to index
    %get3A_0 = memref.load %arg1[%get3A] : memref<40xi32, #tpu.memory_space<smem>>
    %c0_i32 = arith.constant 0 : i32
    %c0_i32_1 = arith.constant 0 : i32
    %c0_i32_2 = arith.constant 0 : i32
    return %get3A_0, %c0_i32, %c0_i32_1 : i32, i32, i32
  }
  func.func @transform_3(%arg0: i32, %arg1: memref<40xi32, #tpu.memory_space<smem>>) -> (i32, i32, i32) {
    %get3A = arith.index_cast %arg0 : i32 to index
    %get3A_0 = memref.load %arg1[%get3A] : memref<40xi32, #tpu.memory_space<smem>>
    %c0_i32 = arith.constant 0 : i32
    %c0_i32_1 = arith.constant 0 : i32
    %c0_i32_2 = arith.constant 0 : i32
    return %get3A_0, %c0_i32, %c0_i32_1 : i32, i32, i32
  }
  func.func @transform_4(%arg0: i32, %arg1: memref<40xi32, #tpu.memory_space<smem>>) -> (i32, i32) {
    %c0_i32 = arith.constant 0 : i32
    %c0_i32_0 = arith.constant 0 : i32
    return %arg0, %c0_i32 : i32, i32
  }
}

module attributes {stable_mosaic.version = 14 : i64} {
  func.func @_shared_mlp_body(%arg0: i32, %arg1: memref<512x1024xbf16, #tpu.memory_space<vmem>>, %arg2: memref<1024x1024xbf16, #tpu.memory_space<vmem>>, %arg3: memref<1024x1024xbf16, #tpu.memory_space<vmem>>, %arg4: memref<1024x1024xbf16, #tpu.memory_space<vmem>>, %arg5: memref<512x1024xf32, #tpu.memory_space<vmem>>, %arg6: memref<512x1024xf32, #tpu.memory_space<vmem>>, %arg7: memref<512x2xf32, #tpu.memory_space<vmem>>, %arg8: memref<512x1024xf32, #tpu.memory_space<vmem>>) attributes {dimension_semantics = [#tpu.dimension_semantics<arbitrary>], iteration_bounds = array<i64: 8>, scalar_prefetch = 0 : i64, scratch_operands = 0 : i64, tpu.core_type = #tpu.core_type<tc>, window_params = [{transform_indices = @transform_0, window_bounds = array<i64: 512, 1024>}, {pipeline_mode = #tpu.pipeline_mode<synchronous>, transform_indices = @transform_1, window_bounds = array<i64: 1024, 1024>}, {pipeline_mode = #tpu.pipeline_mode<synchronous>, transform_indices = @transform_2, window_bounds = array<i64: 1024, 1024>}, {pipeline_mode = #tpu.pipeline_mode<synchronous>, transform_indices = @transform_3, window_bounds = array<i64: 1024, 1024>}, {transform_indices = @transform_4, window_bounds = array<i64: 512, 1024>}, {transform_indices = @transform_5, window_bounds = array<i64: 512, 1024>}, {transform_indices = @transform_6, window_bounds = array<i64: 512, 2>}, {transform_indices = @transform_7, window_bounds = array<i64: 512, 1024>}]} {
    %get3A = arith.constant 0 : index
    %get3A_0 = arith.constant 0 : index
    %get3A_1 = vector.load %arg1[%get3A, %get3A_0] : memref<512x1024xbf16, #tpu.memory_space<vmem>>, vector<512x1024xbf16>
    %get3A_2 = arith.constant 0 : index
    %get3A_3 = arith.constant 0 : index
    %get3A_4 = vector.load %arg2[%get3A_2, %get3A_3] : memref<1024x1024xbf16, #tpu.memory_space<vmem>>, vector<1024x1024xbf16>
    %dot_general3A = arith.constant dense<0.000000e+00> : vector<512x1024xf32>
    %dot_general3A_5 = tpu.matmul %get3A_1, %get3A_4, %dot_general3A {dimension_numbers = #tpu.dot_dimension_numbers<[1], [0], [0], [1], [0, 0, 1, 1], [], []>, transpose_lhs_hint = false} : vector<512x1024xbf16>, vector<1024x1024xbf16>, vector<512x1024xf32> -> vector<512x1024xf32>
    %get3A_6 = arith.constant 0 : index
    %get3A_7 = arith.constant 0 : index
    %get3A_8 = vector.load %arg3[%get3A_6, %get3A_7] : memref<1024x1024xbf16, #tpu.memory_space<vmem>>, vector<1024x1024xbf16>
    %dot_general3A_9 = arith.constant dense<0.000000e+00> : vector<512x1024xf32>
    %dot_general3A_10 = tpu.matmul %get3A_1, %get3A_8, %dot_general3A_9 {dimension_numbers = #tpu.dot_dimension_numbers<[1], [0], [0], [1], [0, 0, 1, 1], [], []>, transpose_lhs_hint = false} : vector<512x1024xbf16>, vector<1024x1024xbf16>, vector<512x1024xf32> -> vector<512x1024xf32>
    %logistic3A = arith.negf %dot_general3A_5 : vector<512x1024xf32>
    %logistic3A_11 = math.exp %logistic3A : vector<512x1024xf32>
    %logistic3A_12 = arith.constant 1.000000e+00 : f32
    %logistic3A_13 = vector.broadcast %logistic3A_12 : f32 to vector<512x1024xf32>
    %logistic3A_14 = arith.addf %logistic3A_13, %logistic3A_11 : vector<512x1024xf32>
    %logistic3A_15 = arith.divf %logistic3A_13, %logistic3A_14 : vector<512x1024xf32>
    %mul3A = arith.mulf %dot_general3A_5, %logistic3A_15 : vector<512x1024xf32>
    %mul3A_16 = arith.mulf %mul3A, %dot_general3A_10 : vector<512x1024xf32>
    %convert_element_type3A = arith.truncf %mul3A_16 : vector<512x1024xf32> to vector<512x1024xbf16>
    %get3A_17 = arith.constant 0 : index
    %get3A_18 = arith.constant 0 : index
    %get3A_19 = vector.load %arg4[%get3A_17, %get3A_18] : memref<1024x1024xbf16, #tpu.memory_space<vmem>>, vector<1024x1024xbf16>
    %dot_general3A_20 = arith.constant dense<0.000000e+00> : vector<512x1024xf32>
    %dot_general3A_21 = tpu.matmul %convert_element_type3A, %get3A_19, %dot_general3A_20 {dimension_numbers = #tpu.dot_dimension_numbers<[1], [0], [0], [1], [0, 0, 1, 1], [], []>, transpose_lhs_hint = false} : vector<512x1024xbf16>, vector<1024x1024xbf16>, vector<512x1024xf32> -> vector<512x1024xf32>
    %get3A_22 = arith.constant 0 : index
    %get3A_23 = arith.constant 0 : index
    %get3A_24 = vector.load %arg7[%get3A_22, %get3A_23] : memref<512x2xf32, #tpu.memory_space<vmem>>, vector<512x1xf32>
    %get3A_25 = arith.constant 0 : index
    %get3A_26 = arith.constant 0 : index
    %get3A_27 = vector.load %arg5[%get3A_25, %get3A_26] : memref<512x1024xf32, #tpu.memory_space<vmem>>, vector<512x1024xf32>
    %mul3A_28 = vector.broadcast %get3A_24 : vector<512x1xf32> to vector<512x1024xf32>
    %mul3A_29 = arith.mulf %mul3A_28, %get3A_27 : vector<512x1024xf32>
    %add3A = arith.addf %dot_general3A_21, %mul3A_29 : vector<512x1024xf32>
    %get3A_30 = arith.constant 0 : index
    %get3A_31 = arith.constant 1 : index
    %get3A_32 = vector.load %arg7[%get3A_30, %get3A_31] : memref<512x2xf32, #tpu.memory_space<vmem>>, vector<512x1xf32>
    %get3A_33 = arith.constant 0 : index
    %get3A_34 = arith.constant 0 : index
    %get3A_35 = vector.load %arg6[%get3A_33, %get3A_34] : memref<512x1024xf32, #tpu.memory_space<vmem>>, vector<512x1024xf32>
    %mul3A_36 = vector.broadcast %get3A_32 : vector<512x1xf32> to vector<512x1024xf32>
    %mul3A_37 = arith.mulf %mul3A_36, %get3A_35 : vector<512x1024xf32>
    %add3A_38 = arith.addf %add3A, %mul3A_37 : vector<512x1024xf32>
    %swap3A = arith.constant 0 : index
    %swap3A_39 = arith.constant 0 : index
    %swap3A_40 = vector.load %arg8[%swap3A, %swap3A_39] : memref<512x1024xf32, #tpu.memory_space<vmem>>, vector<512x1024xf32>
    tpu.vector_store %arg8[%swap3A, %swap3A_39], %add3A_38 {strides = array<i32>} : memref<512x1024xf32, #tpu.memory_space<vmem>>, vector<512x1024xf32>,
    return
  }
  func.func @transform_0(%arg0: i32) -> (i32, i32) {
    %c0_i32 = arith.constant 0 : i32
    %c0_i32_0 = arith.constant 0 : i32
    return %arg0, %c0_i32 : i32, i32
  }
  func.func @transform_1(%arg0: i32) -> (i32, i32) {
    %c0_i32 = arith.constant 0 : i32
    %c0_i32_0 = arith.constant 0 : i32
    %c0_i32_1 = arith.constant 0 : i32
    return %c0_i32, %c0_i32_0 : i32, i32
  }
  func.func @transform_2(%arg0: i32) -> (i32, i32) {
    %c0_i32 = arith.constant 0 : i32
    %c0_i32_0 = arith.constant 0 : i32
    %c0_i32_1 = arith.constant 0 : i32
    return %c0_i32, %c0_i32_0 : i32, i32
  }
  func.func @transform_3(%arg0: i32) -> (i32, i32) {
    %c0_i32 = arith.constant 0 : i32
    %c0_i32_0 = arith.constant 0 : i32
    %c0_i32_1 = arith.constant 0 : i32
    return %c0_i32, %c0_i32_0 : i32, i32
  }
  func.func @transform_4(%arg0: i32) -> (i32, i32) {
    %c0_i32 = arith.constant 0 : i32
    %c0_i32_0 = arith.constant 0 : i32
    return %arg0, %c0_i32 : i32, i32
  }
  func.func @transform_5(%arg0: i32) -> (i32, i32) {
    %c0_i32 = arith.constant 0 : i32
    %c0_i32_0 = arith.constant 0 : i32
    return %arg0, %c0_i32 : i32, i32
  }
  func.func @transform_6(%arg0: i32) -> (i32, i32) {
    %c0_i32 = arith.constant 0 : i32
    %c0_i32_0 = arith.constant 0 : i32
    return %arg0, %c0_i32 : i32, i32
  }
  func.func @transform_7(%arg0: i32) -> (i32, i32) {
    %c0_i32 = arith.constant 0 : i32
    %c0_i32_0 = arith.constant 0 : i32
    return %arg0, %c0_i32 : i32, i32
  }
}

</mosaic_0001>

<sc_bundles>
// kernel: kernel.10.cloned.1.call-start
scs
__scs_entry_jumppad:
0x0: {  	(pc) =	sbr.rel $0x88, $3  }
0x1: {  	(tag) =	ssettag $0x0;
	lr =	simm.s32 $0x1  }
0x2: {  	[smem:$0x3F98] =	sst lr;
	_ =	strace $0xD0000000  }
0x3: {  	_ = 	snop  }
0x4: {  	_ = 	snop  }
0x5: {  	_ = 	snop  }
0x6: {  	_ = 	snop  }
0x7: {  	_ = 	snop  }
__scs_overlays_trampoline_lowered:
0x8: {  	[smem:$0x3FA7] =	sst s0  }
0x9: {  	[smem:$0x3FA8] =	sst s1  }
0xa: {  	[smem:$0x3FA9] =	sst s2  }
0xb: {  	[smem:$0x3FAA] =	sst s3  }
0xc: {  	[smem:$0x3FAB] =	sst s4  }
0xd: {  	[smem:$0x3FAC] =	sst s5  }
0xe: {  	[smem:$0x3FAD] =	sst s6  }
0xf: {  	[smem:$0x3FAE] =	sst s7  }
0x10: {  	[smem:$0x3FAF] =	sst s8  }
0x11: {  	[smem:$0x3FB0] =	sst s9;
	s0 =	simm.s32 @!p0 $0x0  }
0x12: {  	s1 =	sld [smem:$0x3F96];
	s0 =	simm.s32 @p0 $0x1  }
0x13: {  	[smem:$0x3FB1] =	sst s0;
	s0 =	simm.s32 @!p1 $0x0  }
0x14: {  	s2 =	sld [smem:$0x3F95];
	s0 =	simm.s32 @p1 $0x1  }
0x15: {  	[smem:$0x3FB2] =	sst s0;
	s0 =	simm.s32 @!p2 $0x0  }
0x16: {  	s3 =	sld [smem:$0x3FDB];
	s0 =	simm.s32 @p2 $0x1  }
0x17: {  	s4 =	simm.s32 $0x1BF5;
	[smem:$0x3FB4] =	sst s0  }
0x18: {  	s0 =	sld [smem:$0x3F97];
	_ =	swait.ge [sflag:s4], $0x0  }
0x19: {  	s7 =	sld [smem:$0x3F98]  }
0x1a: {  	s8 =	sadd.s32 $0xFFFFE003, lr  }
0x1b: {  	s9 =	sadd.s32 $0xFFFFFEF7, lr;
	s5 =	simm.s32 $0xFFFFFFFF;
	p2 =	slt.u32 s8, $0xFFFFF086  }
0x1c: {  	p1 =	slt.u32 s9, $0xF7A;
	s5 =	simm.s32 @!p2 $0x0  }
0x1d: {  	s5 =	simm.s32 @p1 $0x1;
	p0 =	seq.s32 s7, s2  }
0x1e: {  	s7 =	smul.u32 @!p0 $0xF7A, s2;
	p2 =	seq.s32 @!p0 s5, $0x0  }
0x1f: {  	s9 =	smul.u32 $0xF7A, s1;
	s8 =	simm.s32 @!p0 $0x1BF5;
	p2 =	por !p2, p0  }
0x20: {  	[sflag:s8] =	ssyncset.s32 @!p0 $0xFFFFF086;
	s6 =	sadd.s32 @!p0 s3, s7;
	s7 =	simm.s32 @!p0 $0x108  }
0x21: {  	s3 =	sadd.s32 s3, s9;
	s6 =	sadd.s32 @!p0 $0x88, s6;
	s7 =	simm.s32 @p2 $0x1082  }
0x22: {  	[simem:s7], [sflag:s8] =	dma.local @!p0 [hbm:s6], $0xF7A  }
0x23: {  	s9 =	sor.u32 $0xD0000000, s2;
	s6 =	simm.s32 $0x108;
	_ =	swait.ge @!p0 [sflag:s8], $0x0  }
0x24: {  	s3 =	sadd.s32 $0x88, s3;
	s6 =	simm.s32 @!p1 $0x1082;
	[sflag:s4] =	ssyncset.s32 $0xFFFFF086  }
0x25: {  	[simem:s6], [sflag:s4] =	dma.local [hbm:s3], $0xF7A  }
0x26: {  	[smem:$0x3F98] =	sst s1;
	(tag) =	ssettag s2;
	_ =	strace s9  }
0x27: {  	s1 =	sld [smem:$0x3FA8]  }
0x28: {  	s2 =	sld [smem:$0x3FA9]  }
0x29: {  	s4 =	sld [smem:$0x3FAB]  }
0x2a: {  	p0 =	seq.s32 s5, $0x0;
	s5 =	sld [smem:$0x3FAC]  }
0x2b: {  	s6 =	sld [smem:$0x3FAD]  }
0x2c: {  	s7 =	sld [smem:$0x3FAE]  }
0x2d: {  	s3 =	simm.s32 $0x108;
	s8 =	sld [smem:$0x3FAF]  }
0x2e: {  	s3 =	simm.s32 @!p0 $0x1082;
	s9 =	sld [smem:$0x3FB0]  }
0x2f: {  	lr =	sadd.s32 s0, s3;
	s0 =	sld [smem:$0x3FA7]  }
0x30: {  	s3 =	sld [smem:$0x3FAA]  }
0x31: {  	[smem:$0x3FB3] =	sst s10  }
0x32: {  	s10 =	sld [smem:$0x3FB1];
	_ =	sdelay $0x3  }
0x33: {  	p0 =	seq.s32 s10, $0x1;
	s10 =	sld [smem:$0x3FB3];
	_ =	sdelay $0x3  }
0x34: {  	[smem:$0x3FB3] =	sst s10  }
0x35: {  	s10 =	sld [smem:$0x3FB2];
	_ =	sdelay $0x3  }
0x36: {  	p1 =	seq.s32 s10, $0x1;
	s10 =	sld [smem:$0x3FB3];
	_ =	sdelay $0x3  }
0x37: {  	[smem:$0x3FB3] =	sst s10  }
0x38: {  	s10 =	sld [smem:$0x3FB4]  }
0x39: {  	_ = 	snop;
	(pc) =	sbr.ind lr, $3  }
0x3a: {  	_ = 	snop  }
0x3b: {  	_ = 	snop  }
0x3c: {  	p2 =	seq.s32 s10, $0x1;
	s10 =	sld [smem:$0x3FB3]  }
0x3d: {  	_ =	shalt  }
0x3e: {  	_ =	shalt  }
0x3f: {  	_ =	shalt  }
0x40: {  	_ =	shalt  }
0x41: {  	_ =	shalt  }
0x42: {  	_ =	shalt  }
0x43: {  	_ =	shalt  }
0x44: {  	_ =	shalt  }
0x45: {  	_ =	shalt  }
0x46: {  	_ =	shalt  }
0x47: {  	_ =	shalt  }
0x48: {  	_ =	shalt  }
0x49: {  	_ =	shalt  }
0x4a: {  	_ =	shalt  }
0x4b: {  	_ =	shalt  }
0x4c: {  	_ =	shalt  }
0x4d: {  	_ =	shalt  }
0x4e: {  	_ =	shalt  }
0x4f: {  	_ =	shalt  }
0x50: {  	_ =	shalt  }
0x51: {  	_ =	shalt  }
0x52: {  	_ =	shalt  }
0x53: {  	_ =	shalt  }
0x54: {  	_ =	shalt  }
0x55: {  	_ =	shalt  }
0x56: {  	_ =	shalt  }
0x57: {  	_ =	shalt  }
0x58: {  	_ =	shalt  }
0x59: {  	_ =	shalt  }
0x5a: {  	_ =	shalt  }
0x5b: {  	_ =	shalt  }
0x5c: {  	_ =	shalt  }
0x5d: {  	_ =	shalt  }
0x5e: {  	_ =	shalt  }
0x5f: {  	_ =	shalt  }
0x60: {  	_ =	shalt  }
0x61: {  	_ =	shalt  }
0x62: {  	_ =	shalt  }
0x63: {  	_ =	shalt  }
0x64: {  	_ =	shalt  }
0x65: {  	_ =	shalt  }
0x66: {  	_ =	shalt  }
0x67: {  	_ =	shalt  }
0x68: {  	_ =	shalt  }
0x69: {  	_ =	shalt  }
0x6a: {  	_ =	shalt  }
0x6b: {  	_ =	shalt  }
0x6c: {  	_ =	shalt  }
0x6d: {  	_ =	shalt  }
0x6e: {  	_ =	shalt  }
0x6f: {  	_ =	shalt  }
0x70: {  	_ =	shalt  }
0x71: {  	_ =	shalt  }
0x72: {  	_ =	shalt  }
0x73: {  	_ =	shalt  }
0x74: {  	_ =	shalt  }
0x75: {  	_ =	shalt  }
0x76: {  	_ =	shalt  }
0x77: {  	_ =	shalt  }
0x78: {  	_ =	shalt  }
0x79: {  	_ =	shalt  }
0x7a: {  	_ =	shalt  }
0x7b: {  	_ =	shalt  }
0x7c: {  	_ =	shalt  }
0x7d: {  	_ =	shalt  }
0x7e: {  	_ =	shalt  }
0x7f: {  	_ =	shalt  }
0x80: {  	_ =	shalt  }
0x81: {  	_ =	shalt  }
0x82: {  	_ =	shalt  }
0x83: {  	_ =	shalt  }
0x84: {  	_ =	shalt  }
0x85: {  	_ =	shalt  }
0x86: {  	_ =	shalt  }
0x87: {  	_ =	shalt  }
.Lfunc_end0:
.L_simem_size_0:
called_computation.1_lowered:
.L_overlay_start_0:
0x88: {  	s2 =	sld [smem:$0x3FD9]  }
0x89: {  	s3 =	sld [smem:$0x3FFE];
	_ =	sdelay $0x1  }
0x8a: {  	s1 =	srdreg.scid  }
0x8b: {  	s0 =	sand.u32 $0x1, s1  }
0x8c: {  	s16 =	sshll.u32 s0, $0xA;
	s2 =	sadd.s32 s3, s2  }
0x8d: {  	s2 =	sadd.s32 s2, s16  }
0x8e: {  	[smem:$0x3FBF] =	sst s2  }
0x8f: {  	_ = 	snop  }
0x90: {  	(tm) =	ssettm $0x1  }
0x91: {  	s17 =	sld [smem:$0x3FFB];
	_ =	sdelay $0x3  }
0x92: {  	_ =	strace s17  }
0x93: {  	s2 =	sld [smem:$0x3FFC];
	_ =	sdelay $0x3  }
0x94: {  	_ =	strace s2  }
0x95: {  	s2 =	sld [smem:$0x3FFD];
	_ =	sdelay $0x3  }
0x96: {  	_ =	strace s2  }
0x97: {  	_ =	strace $0x8FFFFFFF  }
0x98: {  	s18 =	sld [smem:$0x3FDB];
	_ =	sdelay $0x1  }
0x99: {  	s19 =	simm.s32 $_scs_section_size  }
0x9a: {  	s4 =	simm.s32 $_size__tile_overlayer_lowered;
	s5 =	simm.s32 $_tile_overlayer_lowered  }
0x9b: {  	s22 =	simm.s32 $0x1BFF;
	s21 =	sshll.u32 s5, $0x1;
	s2 =	sadd.s32 s19, s18  }
0x9c: {  	s6 =	simm.s32 $0x0;
	s20 =	sshll.u32 s4, $0x1;
	s4 =	sadd.s32 s21, s2  }
0x9d: {  	[timem:s6], [sflag:s22] =	dma.local [hbm:s4], s20  }
0x9e: {  	_ =	swait.ge [sflag:s22], s20  }
0x9f: {  	s3 =	ssub.s32 $0x0, s20;
	[sflag:s22] =	ssyncset.done $0x0  }
0xa0: {  	[sflag:s22] =	ssyncadd.s32 s3;
	_ =	sdelay $0x1  }
0xa1: {  	s23 =	simm.s32 $0x1B8B  }
0xa2: {  	_ =	swait.ge [sflag:s23], $0x1  }
0xa3: {  	[sflag:s23] =	ssyncset.done $0x0  }
0xa4: {  	s25 =	simm.s32 $0x1B8E;
	s24 =	sld [smem:$0x3FFE];
	[sflag:s23] =	ssyncadd.s32 $0xFFFFFFFF  }
0xa5: {  	s26 =	simm.s32 $execute0_lowered;
	[smem:$0x3FD2] =	sst s25  }
0xa6: {  	s4 =	sshll.u32 s26, $0x1;
	_ =	strace $0x80000049;
	[dreg:$0x1] =	wrdreg $0xFFFFFFFF  }
0xa7: {  	s28 =	simm.s32 $_size_execute0_lowered;
	s2 =	sadd.s32 s2, s4;
	[dreg:$0x0] =	wrdreg $0x0  }
0xa8: {  	s4 =	sshll.u32 s28, $0x1;
	[dreg:$0x2] =	wrdreg s2  }
0xa9: {  	[dreg:$0x3] =	wrdreg s4  }
0xaa: {  	[dreg:$0x4] =	wrdreg $0xC0  }
0xab: {  	_ =	task [dreg:s6], $0x5FFFF  }
0xac: {  	[dreg:$0x1] =	wrdreg $0xFFFFFFFF  }
0xad: {  	[dreg:$0x0] =	wrdreg $0x60  }
0xae: {  	[dreg:$0x2] =	wrdreg s24  }
0xaf: {  	[dreg:$0x3] =	wrdreg $0x9  }
0xb0: {  	_ =	task.clear_ibuf [dreg:s6], $0x4FFFF;
	_ =	strace $0x90000049  }
0xb1: {  	s29 =	simm.s32 $0x9;
	_ =	strace $0x8000004B  }
0xb2: {  	_ =	swait.ge [sflag:s29], $0x1  }
0xb3: {  	[sflag:s29] =	ssyncadd.s32 $0xFFFFFFFF  }
0xb4: {  	_ =	strace $0x9000004B  }
0xb5: {  	_ =	sfence  }
0xb6: {  	s30 =	sld [smem:$0x0];
	_ =	sdelay $0x2  }
0xb7: {  	s31 =	sshll.u32 s1, $0xD;
	s1 =	sshrl.u32 s1, $0x2  }
0xb8: {  	s3 =	sand.u32 $0x4000, s31;
	s1 =	sadd.s32 s1, s30  }
0xb9: {  	s0 =	sor.u32 s3, s0;
	s1 =	sshll.u32 s1, $0x11  }
0xba: {  	s0 =	sor.u32 s1, s0  }
0xbb: {  	s0 =	sadd.s32 $0x8F2B, s0  }
0xbc: {  	[sflag:s0] =	ssyncadd.remote.s32 $0x1  }
0xbd: {  	_ =	sfence.sel $0xFFFF  }
0xbe: {  	[dreg:$0x0] =	wrdreg $0xFFFFFFFF;
	(pc) =	sbr.abs _section_cstart, $3  }
0xbf: {  	[dreg:$0x1] =	wrdreg $0xFFFFFFFF  }
0xc0: {  	_ =	task.clear_ibuf [dreg:s6], $0x2FFFF;
	_ =	strace $0x9FFFFFFF  }
0xc1: {  	(tm) =	ssettm $0x7FFFFFFF  }
tec
execute0_lowered:
.L_overlay_start_1:
0x0: {  	(tag) =	ssettag $0x1  }
0x1: {  	s0 =	rddreg [dreg:$0x0]  }
0x2: {  	s1 =	srdreg.scid;
	s3 =	stileid.u32;
	s2 =	simm.s32 $0x0  }
0x3: {  	s31 =	simm.s32 $0x80;
	s23 =	simm.s32 $0x100;
	s18 =	simm.s32 $0x1  }
0x4: {  	s1 =	sand.u32 $0x1, s1;
	s3 =	sshll.u32 s3, $0x1;
	[smem:$0x7FF] =	sst s2  }
0x5: {  	s6 =	sadd.s32 $0x24800, s0;
	s7 =	sadd.s32 $0xA4800, s0;
	s4 =	sor.u32 s1, s3  }
0x6: {  	_ =	strace $0x8000004A;
	s3 =	sadd.s32 $0x165000, s0;
	s1 =	ssub.s32 $0x2, s1  }
0x7: {  	[dreg:$0x8] =	wrdreg s31;
	s5 =	sshll.u32 s4, $0x4;
	s4 =	sshll.u32 s4, $0xE  }
0x8: {  	s8 =	sshrl.u32 s1, $0x1;
	s5 =	sadd.s32 s5, s0;
	s28 =	sadd.s32 s6, s4  }
0x9: {  	s1 =	ssub.s32 s1, s8;
	s29 =	sadd.s32 s7, s4;
	[dreg:$0x4] =	wrdreg s28  }
0xa: {  	s30 =	sor.u32 $0x2000, s4;
	s9 =	sadd.s32 $0x24600, s5;
	[dreg:$0x5] =	wrdreg s29  }
0xb: {  	s4 =	sadd.s32 $0x165100, s0;
	s5 =	sadd.s32 $0x24400, s5;
	[dreg:$0x2] =	wrdreg s9  }
0xc: {  	v2 =	vlaneseq.u32;
	s8 =	simm.s32 $0x2;
	s6 =	sadd.s32 s6, s30;
	[dreg:$0x3] =	wrdreg s5  }
0xd: {  	vm0 =	vmmov $0xffff;
	v1 =	vshrl.u32 v2, $0x3;
	s7 =	sadd.s32 s7, s30;
	s5 =	sadd.s32 $0x165200, s0;
	[dreg:$0x6] =	wrdreg s6  }
0xe: {  	v0 =	vand.u32 $0x7, v2;
	v2 =	vor.u32 $0x8, v2;
	v1 =	vmul.u32 $0x8, v1;
	s6 =	sadd.s32 $0x165300, s0;
	[dreg:$0x7] =	wrdreg s7;
	s7 =	smax.u32 s1, $0x1  }
.LBB2_1:
0xf: {  	s19 =	rddreg [dreg:$0x2]  }
0x10: {  	[tilespmem:s2], [sflag:$0x2] =	stream.linear.gather [hbm4b:s19+s2], $0x80, $0x38;
	[tilespmem:$0x10100] =	vst v63  }
0x11: {  	_ =	swait.ge [sflag:s8], $0x80  }
0x12: {  	s12 =	rddreg [dreg:$0x3];
	[sflag:s8] =	ssyncset.done $0x0  }
0x13: {  	s20 =	rddreg [dreg:$0x8];
	[sflag:s8] =	ssyncadd.s32 $0xFFFFFF80  }
0x14: {  	[tilespmem:s20], [sflag:$0x2] =	stream.linear.gather [hbm4b:s12+s2], $0x80, $0x38;
	[tilespmem:$0x10100] =	vst v63  }
0x15: {  	_ =	swait.ge [sflag:s8], $0x80  }
0x16: {  	[sflag:s8] =	ssyncset.done $0x0  }
0x17: {  	[sflag:s8] =	ssyncadd.s32 $0xFFFFFF80  }
0x18: {  	v3 =	vld [tilespmem:$0x0];
	_ =	sdelay $0x4  }
0x19: {  	v4 =	vshll.u32 v3, $0x3  }
0x1a: {  	v3 =	vand.u32 $0x7, v3;
	v4 =	vand.u32 $0xFFFFFFC0, v4  }
0x1b: {  	v3 =	vor.u32 v3, v4  }
0x1c: {  	v4 =	vperm.xlane v3, v0;
	_ =	sdelay $0x1  }
0x1d: {  	v4 =	vadd.s32 v1, v4;
	_ =	sdelay $0x4  }
0x1e: {  	[tilespmem:s23], [sflag:$0x1] =	stream.indirect_vreg.gather [hbm4b:s3+s2], $0x80, v4, vm0, $0xb8;
	[tilespmem:$0x10100] =	vst v63  }
0x1f: {  	s0 =	simm.s32 $0x900;
	v3 =	vperm.xlane v3, v2  }
0x20: {  	[tilespmem:s0], [sflag:$0x1] =	stream.indirect_vreg.gather [hbm4b:s4+s2], $0x80, v4, vm0, $0xb8;
	[tilespmem:$0x10100] =	vst v63  }
0x21: {  	s13 =	simm.s32 $0x1100;
	v3 =	vadd.s32 v1, v3  }
0x22: {  	[tilespmem:s13], [sflag:$0x1] =	stream.indirect_vreg.gather [hbm4b:s5+s2], $0x80, v4, vm0, $0xb8;
	[tilespmem:$0x10100] =	vst v63  }
0x23: {  	s15 =	simm.s32 $0x1900  }
0x24: {  	[tilespmem:s15], [sflag:$0x1] =	stream.indirect_vreg.gather [hbm4b:s6+s2], $0x80, v4, vm0, $0xb8;
	[tilespmem:$0x10100] =	vst v63  }
0x25: {  	s16 =	simm.s32 $0x2100  }
0x26: {  	[tilespmem:s16], [sflag:$0x1] =	stream.indirect_vreg.gather [hbm4b:s3+s2], $0x80, v3, vm0, $0xb8;
	[tilespmem:$0x10100] =	vst v63  }
0x27: {  	s17 =	simm.s32 $0x2900  }
0x28: {  	[tilespmem:s17], [sflag:$0x1] =	stream.indirect_vreg.gather [hbm4b:s4+s2], $0x80, v3, vm0, $0xb8;
	[tilespmem:$0x10100] =	vst v63  }
0x29: {  	s19 =	simm.s32 $0x3100  }
0x2a: {  	[tilespmem:s19], [sflag:$0x1] =	stream.indirect_vreg.gather [hbm4b:s5+s2], $0x80, v3, vm0, $0xb8;
	[tilespmem:$0x10100] =	vst v63  }
0x2b: {  	s20 =	simm.s32 $0x3900  }
0x2c: {  	[tilespmem:s20], [sflag:$0x1] =	stream.indirect_vreg.gather [hbm4b:s6+s2], $0x80, v3, vm0, $0xb8;
	[tilespmem:$0x10100] =	vst v63  }
0x2d: {  	v3 =	vld [tilespmem:$0x10];
	_ =	sdelay $0x4  }
0x2e: {  	v49 =	vshll.u32 v3, $0x3  }
0x2f: {  	v3 =	vand.u32 $0x7, v3;
	v4 =	vand.u32 $0xFFFFFFC0, v49  }
0x30: {  	v3 =	vor.u32 v3, v4  }
0x31: {  	v4 =	vperm.xlane v3, v0;
	_ =	sdelay $0x1  }
0x32: {  	v4 =	vadd.s32 v1, v4;
	_ =	sdelay $0x3  }
0x33: {  	s21 =	simm.s32 $0x4100  }
0x34: {  	[tilespmem:s21], [sflag:$0x1] =	stream.indirect_vreg.gather [hbm4b:s3+s2], $0x80, v4, vm0, $0xb8;
	[tilespmem:$0x10100] =	vst v63  }
0x35: {  	s22 =	simm.s32 $0x4900;
	v3 =	vperm.xlane v3, v2  }
0x36: {  	[tilespmem:s22], [sflag:$0x1] =	stream.indirect_vreg.gather [hbm4b:s4+s2], $0x80, v4, vm0, $0xb8;
	[tilespmem:$0x10100] =	vst v63  }
0x37: {  	s24 =	simm.s32 $0x5100;
	v3 =	vadd.s32 v1, v3  }
0x38: {  	[tilespmem:s24], [sflag:$0x1] =	stream.indirect_vreg.gather [hbm4b:s5+s2], $0x80, v4, vm0, $0xb8;
	[tilespmem:$0x10100] =	vst v63  }
0x39: {  	s25 =	simm.s32 $0x5900  }
0x3a: {  	[tilespmem:s25], [sflag:$0x1] =	stream.indirect_vreg.gather [hbm4b:s6+s2], $0x80, v4, vm0, $0xb8;
	[tilespmem:$0x10100] =	vst v63  }
0x3b: {  	s26 =	simm.s32 $0x6100  }
0x3c: {  	[tilespmem:s26], [sflag:$0x1] =	stream.indirect_vreg.gather [hbm4b:s3+s2], $0x80, v3, vm0, $0xb8;
	[tilespmem:$0x10100] =	vst v63  }
0x3d: {  	s28 =	simm.s32 $0x6900  }
0x3e: {  	[tilespmem:s28], [sflag:$0x1] =	stream.indirect_vreg.gather [hbm4b:s4+s2], $0x80, v3, vm0, $0xb8;
	[tilespmem:$0x10100] =	vst v63  }
0x3f: {  	s29 =	simm.s32 $0x7100  }
0x40: {  	[tilespmem:s29], [sflag:$0x1] =	stream.indirect_vreg.gather [hbm4b:s5+s2], $0x80, v3, vm0, $0xb8;
	[tilespmem:$0x10100] =	vst v63  }
0x41: {  	s30 =	simm.s32 $0x7900  }
0x42: {  	[tilespmem:s30], [sflag:$0x1] =	stream.indirect_vreg.gather [hbm4b:s6+s2], $0x80, v3, vm0, $0xb8;
	[tilespmem:$0x10100] =	vst v63  }
0x43: {  	v3 =	vld [tilespmem:$0x20];
	_ =	sdelay $0x4  }
0x44: {  	v50 =	vshll.u32 v3, $0x3  }
0x45: {  	v3 =	vand.u32 $0x7, v3;
	v4 =	vand.u32 $0xFFFFFFC0, v50  }
0x46: {  	v3 =	vor.u32 v3, v4  }
0x47: {  	v4 =	vperm.xlane v3, v0;
	_ =	sdelay $0x1  }
0x48: {  	v4 =	vadd.s32 v1, v4;
	_ =	sdelay $0x3  }
0x49: {  	s16 =	simm.s32 $0x8100  }
0x4a: {  	[tilespmem:s16], [sflag:$0x1] =	stream.indirect_vreg.gather [hbm4b:s3+s2], $0x80, v4, vm0, $0xb8;
	[tilespmem:$0x10100] =	vst v63  }
0x4b: {  	s17 =	simm.s32 $0x8900;
	v3 =	vperm.xlane v3, v2  }
0x4c: {  	[tilespmem:s17], [sflag:$0x1] =	stream.indirect_vreg.gather [hbm4b:s4+s2], $0x80, v4, vm0, $0xb8;
	[tilespmem:$0x10100] =	vst v63  }
0x4d: {  	s19 =	simm.s32 $0x9100;
	v3 =	vadd.s32 v1, v3  }
0x4e: {  	[tilespmem:s19], [sflag:$0x1] =	stream.indirect_vreg.gather [hbm4b:s5+s2], $0x80, v4, vm0, $0xb8;
	[tilespmem:$0x10100] =	vst v63  }
0x4f: {  	s20 =	simm.s32 $0x9900  }
0x50: {  	[tilespmem:s20], [sflag:$0x1] =	stream.indirect_vreg.gather [hbm4b:s6+s2], $0x80, v4, vm0, $0xb8;
	[tilespmem:$0x10100] =	vst v63  }
0x51: {  	s21 =	simm.s32 $0xA100  }
0x52: {  	[tilespmem:s21], [sflag:$0x1] =	stream.indirect_vreg.gather [hbm4b:s3+s2], $0x80, v3, vm0, $0xb8;
	[tilespmem:$0x10100] =	vst v63  }
0x53: {  	s22 =	simm.s32 $0xA900  }
0x54: {  	[tilespmem:s22], [sflag:$0x1] =	stream.indirect_vreg.gather [hbm4b:s4+s2], $0x80, v3, vm0, $0xb8;
	[tilespmem:$0x10100] =	vst v63  }
0x55: {  	s24 =	simm.s32 $0xB100  }
0x56: {  	[tilespmem:s24], [sflag:$0x1] =	stream.indirect_vreg.gather [hbm4b:s5+s2], $0x80, v3, vm0, $0xb8;
	[tilespmem:$0x10100] =	vst v63  }
0x57: {  	s25 =	simm.s32 $0xB900  }
0x58: {  	[tilespmem:s25], [sflag:$0x1] =	stream.indirect_vreg.gather [hbm4b:s6+s2], $0x80, v3, vm0, $0xb8;
	[tilespmem:$0x10100] =	vst v63  }
0x59: {  	v3 =	vld [tilespmem:$0x30];
	_ =	sdelay $0x4  }
0x5a: {  	v51 =	vshll.u32 v3, $0x3  }
0x5b: {  	v3 =	vand.u32 $0x7, v3;
	v4 =	vand.u32 $0xFFFFFFC0, v51  }
0x5c: {  	v3 =	vor.u32 v3, v4  }
0x5d: {  	v4 =	vperm.xlane v3, v0;
	_ =	sdelay $0x1  }
0x5e: {  	v4 =	vadd.s32 v1, v4;
	_ =	sdelay $0x3  }
0x5f: {  	s26 =	simm.s32 $0xC100  }
0x60: {  	[tilespmem:s26], [sflag:$0x1] =	stream.indirect_vreg.gather [hbm4b:s3+s2], $0x80, v4, vm0, $0xb8;
	[tilespmem:$0x10100] =	vst v63  }
0x61: {  	s29 =	simm.s32 $0xC900;
	v3 =	vperm.xlane v3, v2  }
0x62: {  	[tilespmem:s29], [sflag:$0x1] =	stream.indirect_vreg.gather [hbm4b:s4+s2], $0x80, v4, vm0, $0xb8;
	[tilespmem:$0x10100] =	vst v63  }
0x63: {  	s0 =	simm.s32 $0xD100;
	v3 =	vadd.s32 v1, v3  }
0x64: {  	[tilespmem:s0], [sflag:$0x1] =	stream.indirect_vreg.gather [hbm4b:s5+s2], $0x80, v4, vm0, $0xb8;
	[tilespmem:$0x10100] =	vst v63  }
0x65: {  	s16 =	simm.s32 $0xD900  }
0x66: {  	[tilespmem:s16], [sflag:$0x1] =	stream.indirect_vreg.gather [hbm4b:s6+s2], $0x80, v4, vm0, $0xb8;
	[tilespmem:$0x10100] =	vst v63  }
0x67: {  	s17 =	simm.s32 $0xE100  }
0x68: {  	[tilespmem:s17], [sflag:$0x1] =	stream.indirect_vreg.gather [hbm4b:s3+s2], $0x80, v3, vm0, $0xb8;
	[tilespmem:$0x10100] =	vst v63  }
0x69: {  	s24 =	simm.s32 $0xE900  }
0x6a: {  	[tilespmem:s24], [sflag:$0x1] =	stream.indirect_vreg.gather [hbm4b:s4+s2], $0x80, v3, vm0, $0xb8;
	[tilespmem:$0x10100] =	vst v63  }
0x6b: {  	s25 =	simm.s32 $0xF100  }
0x6c: {  	[tilespmem:s25], [sflag:$0x1] =	stream.indirect_vreg.gather [hbm4b:s5+s2], $0x80, v3, vm0, $0xb8;
	[tilespmem:$0x10100] =	vst v63  }
0x6d: {  	s0 =	simm.s32 $0xF900  }
0x6e: {  	[tilespmem:s0], [sflag:$0x1] =	stream.indirect_vreg.gather [hbm4b:s6+s2], $0x80, v3, vm0, $0xb8;
	[tilespmem:$0x10100] =	vst v63  }
0x6f: {  	_ =	swait.ge [sflag:s18], $0x10000  }
0x70: {  	[sflag:s18] =	ssyncset.done $0x0  }
0x71: {  	s16 =	rddreg [dreg:$0x4];
	[sflag:s18] =	ssyncadd.s32 $0xFFFF0000  }
0x72: {  	[hbm4b:s16+s2] =	stream.linear.scatter [tilespmem:s23], [sflag:$0x2], $0x10000, $0x38;
	[tilespmem:$0x10100] =	vst v63  }
0x73: {  	_ =	swait.ge [sflag:s8], $0x10000  }
0x74: {  	[sflag:s8] =	ssyncset.done $0x0  }
0x75: {  	[sflag:s8] =	ssyncadd.s32 $0xFFFF0000  }
0x76: {  	v3 =	vld [tilespmem:$0x80];
	_ =	sdelay $0x4  }
0x77: {  	v52 =	vshll.u32 v3, $0x3  }
0x78: {  	v3 =	vand.u32 $0x7, v3;
	v4 =	vand.u32 $0xFFFFFFC0, v52  }
0x79: {  	v3 =	vor.u32 v3, v4  }
0x7a: {  	v4 =	vperm.xlane v3, v0;
	_ =	sdelay $0x1  }
0x7b: {  	v4 =	vadd.s32 v1, v4;
	_ =	sdelay $0x4  }
0x7c: {  	[tilespmem:s23], [sflag:$0x1] =	stream.indirect_vreg.gather [hbm4b:s3+s2], $0x80, v4, vm0, $0xb8;
	[tilespmem:$0x10100] =	vst v63  }
0x7d: {  	s14 =	simm.s32 $0x900;
	v3 =	vperm.xlane v3, v2  }
0x7e: {  	[tilespmem:s14], [sflag:$0x1] =	stream.indirect_vreg.gather [hbm4b:s4+s2], $0x80, v4, vm0, $0xb8;
	[tilespmem:$0x10100] =	vst v63  }
0x7f: {  	s1 =	simm.s32 $0x1100;
	v3 =	vadd.s32 v1, v3  }
0x80: {  	[tilespmem:s1], [sflag:$0x1] =	stream.indirect_vreg.gather [hbm4b:s5+s2], $0x80, v4, vm0, $0xb8;
	[tilespmem:$0x10100] =	vst v63  }
0x81: {  	s9 =	simm.s32 $0x1900  }
0x82: {  	[tilespmem:s9], [sflag:$0x1] =	stream.indirect_vreg.gather [hbm4b:s6+s2], $0x80, v4, vm0, $0xb8;
	[tilespmem:$0x10100] =	vst v63  }
0x83: {  	s10 =	simm.s32 $0x2100  }
0x84: {  	[tilespmem:s10], [sflag:$0x1] =	stream.indirect_vreg.gather [hbm4b:s3+s2], $0x80, v3, vm0, $0xb8;
	[tilespmem:$0x10100] =	vst v63  }
0x85: {  	s11 =	simm.s32 $0x2900  }
0x86: {  	[tilespmem:s11], [sflag:$0x1] =	stream.indirect_vreg.gather [hbm4b:s4+s2], $0x80, v3, vm0, $0xb8;
	[tilespmem:$0x10100] =	vst v63  }
0x87: {  	s12 =	simm.s32 $0x3100  }
0x88: {  	[tilespmem:s12], [sflag:$0x1] =	stream.indirect_vreg.gather [hbm4b:s5+s2], $0x80, v3, vm0, $0xb8;
	[tilespmem:$0x10100] =	vst v63  }
0x89: {  	s15 =	simm.s32 $0x3900  }
0x8a: {  	[tilespmem:s15], [sflag:$0x1] =	stream.indirect_vreg.gather [hbm4b:s6+s2], $0x80, v3, vm0, $0xb8;
	[tilespmem:$0x10100] =	vst v63  }
0x8b: {  	v3 =	vld [tilespmem:$0x90];
	_ =	sdelay $0x4  }
0x8c: {  	v53 =	vshll.u32 v3, $0x3  }
0x8d: {  	v3 =	vand.u32 $0x7, v3;
	v4 =	vand.u32 $0xFFFFFFC0, v53  }
0x8e: {  	v3 =	vor.u32 v3, v4  }
0x8f: {  	v4 =	vperm.xlane v3, v0;
	_ =	sdelay $0x1  }
0x90: {  	v4 =	vadd.s32 v1, v4;
	_ =	sdelay $0x3  }
0x91: {  	s16 =	simm.s32 $0x4100  }
0x92: {  	[tilespmem:s16], [sflag:$0x1] =	stream.indirect_vreg.gather [hbm4b:s3+s2], $0x80, v4, vm0, $0xb8;
	[tilespmem:$0x10100] =	vst v63  }
0x93: {  	s31 =	simm.s32 $0x4900;
	v3 =	vperm.xlane v3, v2  }
0x94: {  	[tilespmem:s31], [sflag:$0x1] =	stream.indirect_vreg.gather [hbm4b:s4+s2], $0x80, v4, vm0, $0xb8;
	[tilespmem:$0x10100] =	vst v63  }
0x95: {  	s13 =	simm.s32 $0x5100;
	v3 =	vadd.s32 v1, v3  }
0x96: {  	[tilespmem:s13], [sflag:$0x1] =	stream.indirect_vreg.gather [hbm4b:s5+s2], $0x80, v4, vm0, $0xb8;
	[tilespmem:$0x10100] =	vst v63  }
0x97: {  	s31 =	simm.s32 $0x5900  }
0x98: {  	[tilespmem:s31], [sflag:$0x1] =	stream.indirect_vreg.gather [hbm4b:s6+s2], $0x80, v4, vm0, $0xb8;
	[tilespmem:$0x10100] =	vst v63  }
0x99: {  	s0 =	simm.s32 $0x6100  }
0x9a: {  	[tilespmem:s0], [sflag:$0x1] =	stream.indirect_vreg.gather [hbm4b:s3+s2], $0x80, v3, vm0, $0xb8;
	[tilespmem:$0x10100] =	vst v63  }
0x9b: {  	s1 =	simm.s32 $0x6900  }
0x9c: {  	[tilespmem:s1], [sflag:$0x1] =	stream.indirect_vreg.gather [hbm4b:s4+s2], $0x80, v3, vm0, $0xb8;
	[tilespmem:$0x10100] =	vst v63  }
0x9d: {  	s9 =	simm.s32 $0x7100  }
0x9e: {  	[tilespmem:s9], [sflag:$0x1] =	stream.indirect_vreg.gather [hbm4b:s5+s2], $0x80, v3, vm0, $0xb8;
	[tilespmem:$0x10100] =	vst v63  }
0x9f: {  	s13 =	simm.s32 $0x7900  }
0xa0: {  	[tilespmem:s13], [sflag:$0x1] =	stream.indirect_vreg.gather [hbm4b:s6+s2], $0x80, v3, vm0, $0xb8;
	[tilespmem:$0x10100] =	vst v63  }
0xa1: {  	v3 =	vld [tilespmem:$0xA0];
	_ =	sdelay $0x4  }
0xa2: {  	v54 =	vshll.u32 v3, $0x3  }
0xa3: {  	v3 =	vand.u32 $0x7, v3;
	v4 =	vand.u32 $0xFFFFFFC0, v54  }
0xa4: {  	v3 =	vor.u32 v3, v4  }
0xa5: {  	v4 =	vperm.xlane v3, v0;
	_ =	sdelay $0x1  }
0xa6: {  	v4 =	vadd.s32 v1, v4;
	_ =	sdelay $0x3  }
0xa7: {  	s14 =	simm.s32 $0x8100  }
0xa8: {  	[tilespmem:s14], [sflag:$0x1] =	stream.indirect_vreg.gather [hbm4b:s3+s2], $0x80, v4, vm0, $0xb8;
	[tilespmem:$0x10100] =	vst v63  }
0xa9: {  	s15 =	simm.s32 $0x8900;
	v3 =	vperm.xlane v3, v2  }
0xaa: {  	[tilespmem:s15], [sflag:$0x1] =	stream.indirect_vreg.gather [hbm4b:s4+s2], $0x80, v4, vm0, $0xb8;
	[tilespmem:$0x10100] =	vst v63  }
0xab: {  	s10 =	simm.s32 $0x9100;
	v3 =	vadd.s32 v1, v3  }
0xac: {  	[tilespmem:s10], [sflag:$0x1] =	stream.indirect_vreg.gather [hbm4b:s5+s2], $0x80, v4, vm0, $0xb8;
	[tilespmem:$0x10100] =	vst v63  }
0xad: {  	s11 =	simm.s32 $0x9900  }
0xae: {  	[tilespmem:s11], [sflag:$0x1] =	stream.indirect_vreg.gather [hbm4b:s6+s2], $0x80, v4, vm0, $0xb8;
	[tilespmem:$0x10100] =	vst v63  }
0xaf: {  	s12 =	simm.s32 $0xA100  }
0xb0: {  	[tilespmem:s12], [sflag:$0x1] =	stream.indirect_vreg.gather [hbm4b:s3+s2], $0x80, v3, vm0, $0xb8;
	[tilespmem:$0x10100] =	vst v63  }
0xb1: {  	s30 =	simm.s32 $0xA900  }
0xb2: {  	[tilespmem:s30], [sflag:$0x1] =	stream.indirect_vreg.gather [hbm4b:s4+s2], $0x80, v3, vm0, $0xb8;
	[tilespmem:$0x10100] =	vst v63  }
0xb3: {  	s28 =	simm.s32 $0xB100  }
0xb4: {  	[tilespmem:s28], [sflag:$0x1] =	stream.indirect_vreg.gather [hbm4b:s5+s2], $0x80, v3, vm0, $0xb8;
	[tilespmem:$0x10100] =	vst v63  }
0xb5: {  	s20 =	simm.s32 $0xB900  }
0xb6: {  	[tilespmem:s20], [sflag:$0x1] =	stream.indirect_vreg.gather [hbm4b:s6+s2], $0x80, v3, vm0, $0xb8;
	[tilespmem:$0x10100] =	vst v63  }
0xb7: {  	v3 =	vld [tilespmem:$0xB0];
	_ =	sdelay $0x4  }
0xb8: {  	v55 =	vshll.u32 v3, $0x3  }
0xb9: {  	v3 =	vand.u32 $0x7, v3;
	v4 =	vand.u32 $0xFFFFFFC0, v55  }
0xba: {  	v3 =	vor.u32 v3, v4  }
0xbb: {  	v4 =	vperm.xlane v3, v0;
	_ =	sdelay $0x1  }
0xbc: {  	v4 =	vadd.s32 v1, v4;
	_ =	sdelay $0x3  }
0xbd: {  	s21 =	simm.s32 $0xC100  }
0xbe: {  	[tilespmem:s21], [sflag:$0x1] =	stream.indirect_vreg.gather [hbm4b:s3+s2], $0x80, v4, vm0, $0xb8;
	[tilespmem:$0x10100] =	vst v63  }
0xbf: {  	s22 =	simm.s32 $0xC900;
	v3 =	vperm.xlane v3, v2  }
0xc0: {  	[tilespmem:s22], [sflag:$0x1] =	stream.indirect_vreg.gather [hbm4b:s4+s2], $0x80, v4, vm0, $0xb8;
	[tilespmem:$0x10100] =	vst v63  }
0xc1: {  	v3 =	vadd.s32 v1, v3;
	s22 =	simm.s32 $0xD100  }
0xc2: {  	[tilespmem:s22], [sflag:$0x1] =	stream.indirect_vreg.gather [hbm4b:s5+s2], $0x80, v4, vm0, $0xb8;
	[tilespmem:$0x10100] =	vst v63  }
0xc3: {  	s26 =	simm.s32 $0xD900  }
0xc4: {  	[tilespmem:s26], [sflag:$0x1] =	stream.indirect_vreg.gather [hbm4b:s6+s2], $0x80, v4, vm0, $0xb8;
	[tilespmem:$0x10100] =	vst v63  }
0xc5: {  	s29 =	simm.s32 $0xE100  }
0xc6: {  	[tilespmem:s29], [sflag:$0x1] =	stream.indirect_vreg.gather [hbm4b:s3+s2], $0x80, v3, vm0, $0xb8;
	[tilespmem:$0x10100] =	vst v63  }
0xc7: {  	s26 =	simm.s32 $0xE900  }
0xc8: {  	[tilespmem:s26], [sflag:$0x1] =	stream.indirect_vreg.gather [hbm4b:s4+s2], $0x80, v3, vm0, $0xb8;
	[tilespmem:$0x10100] =	vst v63  }
0xc9: {  	s30 =	simm.s32 $0xF100  }
0xca: {  	[tilespmem:s30], [sflag:$0x1] =	stream.indirect_vreg.gather [hbm4b:s5+s2], $0x80, v3, vm0, $0xb8;
	[tilespmem:$0x10100] =	vst v63  }
0xcb: {  	s17 =	simm.s32 $0xF900  }
0xcc: {  	[tilespmem:s17], [sflag:$0x1] =	stream.indirect_vreg.gather [hbm4b:s6+s2], $0x80, v3, vm0, $0xb8;
	[tilespmem:$0x10100] =	vst v63  }
0xcd: {  	_ =	swait.ge [sflag:s18], $0x10000  }
0xce: {  	[sflag:s18] =	ssyncset.done $0x0  }
0xcf: {  	s17 =	rddreg [dreg:$0x5];
	[sflag:s18] =	ssyncadd.s32 $0xFFFF0000  }
0xd0: {  	[hbm4b:s17+s2] =	stream.linear.scatter [tilespmem:s23], [sflag:$0x2], $0x10000, $0x38;
	[tilespmem:$0x10100] =	vst v63  }
0xd1: {  	_ =	swait.ge [sflag:s8], $0x10000  }
0xd2: {  	[sflag:s8] =	ssyncset.done $0x0  }
0xd3: {  	[sflag:s8] =	ssyncadd.s32 $0xFFFF0000  }
0xd4: {  	v3 =	vld [tilespmem:$0x40];
	_ =	sdelay $0x4  }
0xd5: {  	v56 =	vshll.u32 v3, $0x3  }
0xd6: {  	v3 =	vand.u32 $0x7, v3;
	v4 =	vand.u32 $0xFFFFFFC0, v56  }
0xd7: {  	v3 =	vor.u32 v3, v4  }
0xd8: {  	v4 =	vperm.xlane v3, v0;
	_ =	sdelay $0x1  }
0xd9: {  	v4 =	vadd.s32 v1, v4;
	_ =	sdelay $0x4  }
0xda: {  	[tilespmem:s23], [sflag:$0x1] =	stream.indirect_vreg.gather [hbm4b:s3+s2], $0x80, v4, vm0, $0xb8;
	[tilespmem:$0x10100] =	vst v63  }
0xdb: {  	s21 =	simm.s32 $0x900;
	v3 =	vperm.xlane v3, v2  }
0xdc: {  	[tilespmem:s21], [sflag:$0x1] =	stream.indirect_vreg.gather [hbm4b:s4+s2], $0x80, v4, vm0, $0xb8;
	[tilespmem:$0x10100] =	vst v63  }
0xdd: {  	s25 =	simm.s32 $0x1100;
	v3 =	vadd.s32 v1, v3  }
0xde: {  	[tilespmem:s25], [sflag:$0x1] =	stream.indirect_vreg.gather [hbm4b:s5+s2], $0x80, v4, vm0, $0xb8;
	[tilespmem:$0x10100] =	vst v63  }
0xdf: {  	s19 =	simm.s32 $0x1900  }
0xe0: {  	[tilespmem:s19], [sflag:$0x1] =	stream.indirect_vreg.gather [hbm4b:s6+s2], $0x80, v4, vm0, $0xb8;
	[tilespmem:$0x10100] =	vst v63  }
0xe1: {  	s25 =	simm.s32 $0x2100  }
0xe2: {  	[tilespmem:s25], [sflag:$0x1] =	stream.indirect_vreg.gather [hbm4b:s3+s2], $0x80, v3, vm0, $0xb8;
	[tilespmem:$0x10100] =	vst v63  }
0xe3: {  	s19 =	simm.s32 $0x2900  }
0xe4: {  	[tilespmem:s19], [sflag:$0x1] =	stream.indirect_vreg.gather [hbm4b:s4+s2], $0x80, v3, vm0, $0xb8;
	[tilespmem:$0x10100] =	vst v63  }
0xe5: {  	s25 =	simm.s32 $0x3100  }
0xe6: {  	[tilespmem:s25], [sflag:$0x1] =	stream.indirect_vreg.gather [hbm4b:s5+s2], $0x80, v3, vm0, $0xb8;
	[tilespmem:$0x10100] =	vst v63  }
0xe7: {  	s19 =	simm.s32 $0x3900  }
0xe8: {  	[tilespmem:s19], [sflag:$0x1] =	stream.indirect_vreg.gather [hbm4b:s6+s2], $0x80, v3, vm0, $0xb8;
	[tilespmem:$0x10100] =	vst v63  }
0xe9: {  	v3 =	vld [tilespmem:$0x50];
	_ =	sdelay $0x4  }
0xea: {  	v57 =	vshll.u32 v3, $0x3  }
0xeb: {  	v3 =	vand.u32 $0x7, v3;
	v4 =	vand.u32 $0xFFFFFFC0, v57  }
0xec: {  	v3 =	vor.u32 v3, v4  }
0xed: {  	v4 =	vperm.xlane v3, v0;
	_ =	sdelay $0x1  }
0xee: {  	v4 =	vadd.s32 v1, v4;
	_ =	sdelay $0x4  }
0xef: {  	[tilespmem:s16], [sflag:$0x1] =	stream.indirect_vreg.gather [hbm4b:s3+s2], $0x80, v4, vm0, $0xb8;
	[tilespmem:$0x10100] =	vst v63  }
0xf0: {  	s25 =	simm.s32 $0x4900;
	v3 =	vperm.xlane v3, v2  }
0xf1: {  	[tilespmem:s25], [sflag:$0x1] =	stream.indirect_vreg.gather [hbm4b:s4+s2], $0x80, v4, vm0, $0xb8;
	[tilespmem:$0x10100] =	vst v63  }
0xf2: {  	s19 =	simm.s32 $0x5100;
	v3 =	vadd.s32 v1, v3  }
0xf3: {  	[tilespmem:s19], [sflag:$0x1] =	stream.indirect_vreg.gather [hbm4b:s5+s2], $0x80, v4, vm0, $0xb8;
	[tilespmem:$0x10100] =	vst v63  }
0xf4: {  	_ = 	snop  }
0xf5: {  	[tilespmem:s31], [sflag:$0x1] =	stream.indirect_vreg.gather [hbm4b:s6+s2], $0x80, v4, vm0, $0xb8;
	[tilespmem:$0x10100] =	vst v63  }
0xf6: {  	_ = 	snop  }
0xf7: {  	[tilespmem:s0], [sflag:$0x1] =	stream.indirect_vreg.gather [hbm4b:s3+s2], $0x80, v3, vm0, $0xb8;
	[tilespmem:$0x10100] =	vst v63  }
0xf8: {  	_ = 	snop  }
0xf9: {  	[tilespmem:s1], [sflag:$0x1] =	stream.indirect_vreg.gather [hbm4b:s4+s2], $0x80, v3, vm0, $0xb8;
	[tilespmem:$0x10100] =	vst v63  }
0xfa: {  	_ = 	snop  }
0xfb: {  	[tilespmem:s9], [sflag:$0x1] =	stream.indirect_vreg.gather [hbm4b:s5+s2], $0x80, v3, vm0, $0xb8;
	[tilespmem:$0x10100] =	vst v63  }
0xfc: {  	_ = 	snop  }
0xfd: {  	[tilespmem:s13], [sflag:$0x1] =	stream.indirect_vreg.gather [hbm4b:s6+s2], $0x80, v3, vm0, $0xb8;
	[tilespmem:$0x10100] =	vst v63  }
0xfe: {  	v3 =	vld [tilespmem:$0x60];
	_ =	sdelay $0x4  }
0xff: {  	v58 =	vshll.u32 v3, $0x3  }
0x100: {  	v3 =	vand.u32 $0x7, v3;
	v4 =	vand.u32 $0xFFFFFFC0, v58  }
0x101: {  	v3 =	vor.u32 v3, v4  }
0x102: {  	v4 =	vperm.xlane v3, v0;
	_ =	sdelay $0x1  }
0x103: {  	v4 =	vadd.s32 v1, v4;
	_ =	sdelay $0x4  }
0x104: {  	[tilespmem:s14], [sflag:$0x1] =	stream.indirect_vreg.gather [hbm4b:s3+s2], $0x80, v4, vm0, $0xb8;
	[tilespmem:$0x10100] =	vst v63  }
0x105: {  	v3 =	vperm.xlane v3, v2  }
0x106: {  	[tilespmem:s15], [sflag:$0x1] =	stream.indirect_vreg.gather [hbm4b:s4+s2], $0x80, v4, vm0, $0xb8;
	[tilespmem:$0x10100] =	vst v63  }
0x107: {  	v3 =	vadd.s32 v1, v3  }
0x108: {  	[tilespmem:s10], [sflag:$0x1] =	stream.indirect_vreg.gather [hbm4b:s5+s2], $0x80, v4, vm0, $0xb8;
	[tilespmem:$0x10100] =	vst v63  }
0x109: {  	_ = 	snop  }
0x10a: {  	[tilespmem:s11], [sflag:$0x1] =	stream.indirect_vreg.gather [hbm4b:s6+s2], $0x80, v4, vm0, $0xb8;
	[tilespmem:$0x10100] =	vst v63  }
0x10b: {  	_ = 	snop  }
0x10c: {  	[tilespmem:s12], [sflag:$0x1] =	stream.indirect_vreg.gather [hbm4b:s3+s2], $0x80, v3, vm0, $0xb8;
	[tilespmem:$0x10100] =	vst v63  }
0x10d: {  	s24 =	simm.s32 $0xA900  }
0x10e: {  	[tilespmem:s24], [sflag:$0x1] =	stream.indirect_vreg.gather [hbm4b:s4+s2], $0x80, v3, vm0, $0xb8;
	[tilespmem:$0x10100] =	vst v63  }
0x10f: {  	s28 =	simm.s32 $0xB100  }
0x110: {  	[tilespmem:s28], [sflag:$0x1] =	stream.indirect_vreg.gather [hbm4b:s5+s2], $0x80, v3, vm0, $0xb8;
	[tilespmem:$0x10100] =	vst v63  }
0x111: {  	s24 =	simm.s32 $0xB900  }
0x112: {  	[tilespmem:s24], [sflag:$0x1] =	stream.indirect_vreg.gather [hbm4b:s6+s2], $0x80, v3, vm0, $0xb8;
	[tilespmem:$0x10100] =	vst v63  }
0x113: {  	v3 =	vld [tilespmem:$0x70];
	_ =	sdelay $0x4  }
0x114: {  	v59 =	vshll.u32 v3, $0x3  }
0x115: {  	v3 =	vand.u32 $0x7, v3;
	v4 =	vand.u32 $0xFFFFFFC0, v59  }
0x116: {  	v3 =	vor.u32 v3, v4  }
0x117: {  	v4 =	vperm.xlane v3, v0;
	_ =	sdelay $0x1  }
0x118: {  	v4 =	vadd.s32 v1, v4;
	_ =	sdelay $0x3  }
0x119: {  	s25 =	simm.s32 $0xC100  }
0x11a: {  	[tilespmem:s25], [sflag:$0x1] =	stream.indirect_vreg.gather [hbm4b:s3+s2], $0x80, v4, vm0, $0xb8;
	[tilespmem:$0x10100] =	vst v63  }
0x11b: {  	s28 =	simm.s32 $0xC900;
	v3 =	vperm.xlane v3, v2  }
0x11c: {  	[tilespmem:s28], [sflag:$0x1] =	stream.indirect_vreg.gather [hbm4b:s4+s2], $0x80, v4, vm0, $0xb8;
	[tilespmem:$0x10100] =	vst v63  }
0x11d: {  	s20 =	simm.s32 $0xD100;
	v3 =	vadd.s32 v1, v3  }
0x11e: {  	[tilespmem:s20], [sflag:$0x1] =	stream.indirect_vreg.gather [hbm4b:s5+s2], $0x80, v4, vm0, $0xb8;
	[tilespmem:$0x10100] =	vst v63  }
0x11f: {  	s22 =	simm.s32 $0xD900  }
0x120: {  	[tilespmem:s22], [sflag:$0x1] =	stream.indirect_vreg.gather [hbm4b:s6+s2], $0x80, v4, vm0, $0xb8;
	[tilespmem:$0x10100] =	vst v63  }
0x121: {  	s29 =	simm.s32 $0xE100  }
0x122: {  	[tilespmem:s29], [sflag:$0x1] =	stream.indirect_vreg.gather [hbm4b:s3+s2], $0x80, v3, vm0, $0xb8;
	[tilespmem:$0x10100] =	vst v63  }
0x123: {  	s26 =	simm.s32 $0xE900  }
0x124: {  	[tilespmem:s26], [sflag:$0x1] =	stream.indirect_vreg.gather [hbm4b:s4+s2], $0x80, v3, vm0, $0xb8;
	[tilespmem:$0x10100] =	vst v63  }
0x125: {  	s30 =	simm.s32 $0xF100  }
0x126: {  	[tilespmem:s30], [sflag:$0x1] =	stream.indirect_vreg.gather [hbm4b:s5+s2], $0x80, v3, vm0, $0xb8;
	[tilespmem:$0x10100] =	vst v63  }
0x127: {  	s29 =	simm.s32 $0xF900  }
0x128: {  	[tilespmem:s29], [sflag:$0x1] =	stream.indirect_vreg.gather [hbm4b:s6+s2], $0x80, v3, vm0, $0xb8;
	[tilespmem:$0x10100] =	vst v63  }
0x129: {  	_ =	swait.ge [sflag:s18], $0x10000  }
0x12a: {  	[sflag:s18] =	ssyncset.done $0x0  }
0x12b: {  	s30 =	rddreg [dreg:$0x6];
	[sflag:s18] =	ssyncadd.s32 $0xFFFF0000  }
0x12c: {  	[hbm4b:s30+s2] =	stream.linear.scatter [tilespmem:s23], [sflag:$0x2], $0x10000, $0x38;
	[tilespmem:$0x10100] =	vst v63  }
0x12d: {  	_ =	swait.ge [sflag:s8], $0x10000  }
0x12e: {  	[sflag:s8] =	ssyncset.done $0x0  }
0x12f: {  	[sflag:s8] =	ssyncadd.s32 $0xFFFF0000  }
0x130: {  	v3 =	vld [tilespmem:$0xC0];
	_ =	sdelay $0x4  }
0x131: {  	v60 =	vshll.u32 v3, $0x3  }
0x132: {  	v3 =	vand.u32 $0x7, v3;
	v4 =	vand.u32 $0xFFFFFFC0, v60  }
0x133: {  	v3 =	vor.u32 v3, v4  }
0x134: {  	v4 =	vperm.xlane v3, v0;
	_ =	sdelay $0x1  }
0x135: {  	v4 =	vadd.s32 v1, v4;
	_ =	sdelay $0x4  }
0x136: {  	[tilespmem:s23], [sflag:$0x1] =	stream.indirect_vreg.gather [hbm4b:s3+s2], $0x80, v4, vm0, $0xb8;
	[tilespmem:$0x10100] =	vst v63  }
0x137: {  	s29 =	simm.s32 $0x900;
	v3 =	vperm.xlane v3, v2  }
0x138: {  	[tilespmem:s29], [sflag:$0x1] =	stream.indirect_vreg.gather [hbm4b:s4+s2], $0x80, v4, vm0, $0xb8;
	[tilespmem:$0x10100] =	vst v63  }
0x139: {  	s21 =	simm.s32 $0x1100;
	v3 =	vadd.s32 v1, v3  }
0x13a: {  	[tilespmem:s21], [sflag:$0x1] =	stream.indirect_vreg.gather [hbm4b:s5+s2], $0x80, v4, vm0, $0xb8;
	[tilespmem:$0x10100] =	vst v63  }
0x13b: {  	s30 =	simm.s32 $0x1900  }
0x13c: {  	[tilespmem:s30], [sflag:$0x1] =	stream.indirect_vreg.gather [hbm4b:s6+s2], $0x80, v4, vm0, $0xb8;
	[tilespmem:$0x10100] =	vst v63  }
0x13d: {  	s21 =	simm.s32 $0x2100  }
0x13e: {  	[tilespmem:s21], [sflag:$0x1] =	stream.indirect_vreg.gather [hbm4b:s3+s2], $0x80, v3, vm0, $0xb8;
	[tilespmem:$0x10100] =	vst v63  }
0x13f: {  	s29 =	simm.s32 $0x2900  }
0x140: {  	[tilespmem:s29], [sflag:$0x1] =	stream.indirect_vreg.gather [hbm4b:s4+s2], $0x80, v3, vm0, $0xb8;
	[tilespmem:$0x10100] =	vst v63  }
0x141: {  	s30 =	simm.s32 $0x3100  }
0x142: {  	[tilespmem:s30], [sflag:$0x1] =	stream.indirect_vreg.gather [hbm4b:s5+s2], $0x80, v3, vm0, $0xb8;
	[tilespmem:$0x10100] =	vst v63  }
0x143: {  	s21 =	simm.s32 $0x3900  }
0x144: {  	[tilespmem:s21], [sflag:$0x1] =	stream.indirect_vreg.gather [hbm4b:s6+s2], $0x80, v3, vm0, $0xb8;
	[tilespmem:$0x10100] =	vst v63  }
0x145: {  	v3 =	vld [tilespmem:$0xD0];
	_ =	sdelay $0x4  }
0x146: {  	v61 =	vshll.u32 v3, $0x3  }
0x147: {  	v3 =	vand.u32 $0x7, v3;
	v4 =	vand.u32 $0xFFFFFFC0, v61  }
0x148: {  	v3 =	vor.u32 v3, v4  }
0x149: {  	v4 =	vperm.xlane v3, v0;
	_ =	sdelay $0x1  }
0x14a: {  	v4 =	vadd.s32 v1, v4;
	_ =	sdelay $0x3  }
0x14b: {  	s16 =	simm.s32 $0x4100  }
0x14c: {  	[tilespmem:s16], [sflag:$0x1] =	stream.indirect_vreg.gather [hbm4b:s3+s2], $0x80, v4, vm0, $0xb8;
	[tilespmem:$0x10100] =	vst v63  }
0x14d: {  	s29 =	simm.s32 $0x4900;
	v3 =	vperm.xlane v3, v2  }
0x14e: {  	[tilespmem:s29], [sflag:$0x1] =	stream.indirect_vreg.gather [hbm4b:s4+s2], $0x80, v4, vm0, $0xb8;
	[tilespmem:$0x10100] =	vst v63  }
0x14f: {  	s30 =	simm.s32 $0x5100;
	v3 =	vadd.s32 v1, v3  }
0x150: {  	[tilespmem:s30], [sflag:$0x1] =	stream.indirect_vreg.gather [hbm4b:s5+s2], $0x80, v4, vm0, $0xb8;
	[tilespmem:$0x10100] =	vst v63  }
0x151: {  	s17 =	simm.s32 $0x5900  }
0x152: {  	[tilespmem:s17], [sflag:$0x1] =	stream.indirect_vreg.gather [hbm4b:s6+s2], $0x80, v4, vm0, $0xb8;
	[tilespmem:$0x10100] =	vst v63  }
0x153: {  	s0 =	simm.s32 $0x6100  }
0x154: {  	[tilespmem:s0], [sflag:$0x1] =	stream.indirect_vreg.gather [hbm4b:s3+s2], $0x80, v3, vm0, $0xb8;
	[tilespmem:$0x10100] =	vst v63  }
0x155: {  	s1 =	simm.s32 $0x6900  }
0x156: {  	[tilespmem:s1], [sflag:$0x1] =	stream.indirect_vreg.gather [hbm4b:s4+s2], $0x80, v3, vm0, $0xb8;
	[tilespmem:$0x10100] =	vst v63  }
0x157: {  	s9 =	simm.s32 $0x7100  }
0x158: {  	[tilespmem:s9], [sflag:$0x1] =	stream.indirect_vreg.gather [hbm4b:s5+s2], $0x80, v3, vm0, $0xb8;
	[tilespmem:$0x10100] =	vst v63  }
0x159: {  	s13 =	simm.s32 $0x7900  }
0x15a: {  	[tilespmem:s13], [sflag:$0x1] =	stream.indirect_vreg.gather [hbm4b:s6+s2], $0x80, v3, vm0, $0xb8;
	[tilespmem:$0x10100] =	vst v63  }
0x15b: {  	v3 =	vld [tilespmem:$0xE0];
	_ =	sdelay $0x4  }
0x15c: {  	v62 =	vshll.u32 v3, $0x3  }
0x15d: {  	v3 =	vand.u32 $0x7, v3;
	v4 =	vand.u32 $0xFFFFFFC0, v62  }
0x15e: {  	v3 =	vor.u32 v3, v4  }
0x15f: {  	v4 =	vperm.xlane v3, v0;
	_ =	sdelay $0x1  }
0x160: {  	v4 =	vadd.s32 v1, v4;
	_ =	sdelay $0x3  }
0x161: {  	s14 =	simm.s32 $0x8100  }
0x162: {  	[tilespmem:s14], [sflag:$0x1] =	stream.indirect_vreg.gather [hbm4b:s3+s2], $0x80, v4, vm0, $0xb8;
	[tilespmem:$0x10100] =	vst v63  }
0x163: {  	s15 =	simm.s32 $0x8900;
	v3 =	vperm.xlane v3, v2  }
0x164: {  	[tilespmem:s15], [sflag:$0x1] =	stream.indirect_vreg.gather [hbm4b:s4+s2], $0x80, v4, vm0, $0xb8;
	[tilespmem:$0x10100] =	vst v63  }
0x165: {  	s10 =	simm.s32 $0x9100;
	v3 =	vadd.s32 v1, v3  }
0x166: {  	[tilespmem:s10], [sflag:$0x1] =	stream.indirect_vreg.gather [hbm4b:s5+s2], $0x80, v4, vm0, $0xb8;
	[tilespmem:$0x10100] =	vst v63  }
0x167: {  	s11 =	simm.s32 $0x9900  }
0x168: {  	[tilespmem:s11], [sflag:$0x1] =	stream.indirect_vreg.gather [hbm4b:s6+s2], $0x80, v4, vm0, $0xb8;
	[tilespmem:$0x10100] =	vst v63  }
0x169: {  	s12 =	simm.s32 $0xA100  }
0x16a: {  	[tilespmem:s12], [sflag:$0x1] =	stream.indirect_vreg.gather [hbm4b:s3+s2], $0x80, v3, vm0, $0xb8;
	[tilespmem:$0x10100] =	vst v63  }
0x16b: {  	s31 =	simm.s32 $0xA900  }
0x16c: {  	[tilespmem:s31], [sflag:$0x1] =	stream.indirect_vreg.gather [hbm4b:s4+s2], $0x80, v3, vm0, $0xb8;
	[tilespmem:$0x10100] =	vst v63  }
0x16d: {  	s19 =	simm.s32 $0xB100  }
0x16e: {  	[tilespmem:s19], [sflag:$0x1] =	stream.indirect_vreg.gather [hbm4b:s5+s2], $0x80, v3, vm0, $0xb8;
	[tilespmem:$0x10100] =	vst v63  }
0x16f: {  	s21 =	simm.s32 $0xB900  }
0x170: {  	[tilespmem:s21], [sflag:$0x1] =	stream.indirect_vreg.gather [hbm4b:s6+s2], $0x80, v3, vm0, $0xb8;
	[tilespmem:$0x10100] =	vst v63  }
0x171: {  	v3 =	vld [tilespmem:$0xF0];
	_ =	sdelay $0x4  }
0x172: {  	v63 =	vshll.u32 v3, $0x3  }
0x173: {  	v3 =	vand.u32 $0x7, v3;
	v4 =	vand.u32 $0xFFFFFFC0, v63  }
0x174: {  	v3 =	vor.u32 v3, v4  }
0x175: {  	v4 =	vperm.xlane v3, v0;
	_ =	sdelay $0x1  }
0x176: {  	v4 =	vadd.s32 v1, v4;
	_ =	sdelay $0x3  }
0x177: {  	s29 =	simm.s32 $0xC100  }
0x178: {  	[tilespmem:s29], [sflag:$0x1] =	stream.indirect_vreg.gather [hbm4b:s3+s2], $0x80, v4, vm0, $0xb8;
	[tilespmem:$0x10100] =	vst v63  }
0x179: {  	s30 =	simm.s32 $0xC900;
	v3 =	vperm.xlane v3, v2  }
0x17a: {  	[tilespmem:s30], [sflag:$0x1] =	stream.indirect_vreg.gather [hbm4b:s4+s2], $0x80, v4, vm0, $0xb8;
	[tilespmem:$0x10100] =	vst v63  }
0x17b: {  	s28 =	simm.s32 $0xD100;
	v3 =	vadd.s32 v1, v3  }
0x17c: {  	[tilespmem:s28], [sflag:$0x1] =	stream.indirect_vreg.gather [hbm4b:s5+s2], $0x80, v4, vm0, $0xb8;
	[tilespmem:$0x10100] =	vst v63  }
0x17d: {  	s20 =	simm.s32 $0xD900  }
0x17e: {  	[tilespmem:s20], [sflag:$0x1] =	stream.indirect_vreg.gather [hbm4b:s6+s2], $0x80, v4, vm0, $0xb8;
	[tilespmem:$0x10100] =	vst v63  }
0x17f: {  	s24 =	simm.s32 $0xE100  }
0x180: {  	[tilespmem:s24], [sflag:$0x1] =	stream.indirect_vreg.gather [hbm4b:s3+s2], $0x80, v3, vm0, $0xb8;
	[tilespmem:$0x10100] =	vst v63  }
0x181: {  	s22 =	simm.s32 $0xE900  }
0x182: {  	[tilespmem:s22], [sflag:$0x1] =	stream.indirect_vreg.gather [hbm4b:s4+s2], $0x80, v3, vm0, $0xb8;
	[tilespmem:$0x10100] =	vst v63  }
0x183: {  	s25 =	simm.s32 $0xF100  }
0x184: {  	[tilespmem:s25], [sflag:$0x1] =	stream.indirect_vreg.gather [hbm4b:s5+s2], $0x80, v3, vm0, $0xb8;
	[tilespmem:$0x10100] =	vst v63  }
0x185: {  	s26 =	simm.s32 $0xF900  }
0x186: {  	[tilespmem:s26], [sflag:$0x1] =	stream.indirect_vreg.gather [hbm4b:s6+s2], $0x80, v3, vm0, $0xb8;
	[tilespmem:$0x10100] =	vst v63  }
0x187: {  	_ =	swait.ge [sflag:s18], $0x10000  }
0x188: {  	p0 =	sne.s32 s7, $0x1;
	[sflag:s18] =	ssyncset.done $0x0  }
.Ltmp0:
0x189: {  	s31 =	rddreg [dreg:$0x7];
	[sflag:s18] =	ssyncadd.s32 $0xFFFF0000;
	(pc) =	sbr.rel @p0 .LBB2_1-.Ltmp0, $4  }
0x18a: {  	[hbm4b:s31+s2] =	stream.linear.scatter [tilespmem:s23], [sflag:$0x2], $0x10000, $0x38;
	[tilespmem:$0x10100] =	vst v63  }
0x18b: {  	_ =	swait.ge [sflag:s8], $0x10000  }
0x18c: {  	[sflag:s8] =	ssyncset.done $0x0  }
0x18d: {  	s7 =	sadd.s32 $0xFFFFFFFF, s7;
	[sflag:s8] =	ssyncadd.s32 $0xFFFF0000  }
0x18e: {  	_ =	sfence.sel $0x180000  }
0x18f: {  	[bflag:$0x0] =	sbarrier.arrive $0xFFFF  }
0x190: {  	_ =	strace $0x9000004A  }
0x191: {  	s0 =	stileid.u32;
	[bflag:$0x2] =	sbarrier.arrive $0xFFFF  }
0x192: {  	p0 =	sne.s32 s0, $0x0;
	s0 =	rddreg [dreg:$0x1]  }
0x193: {  	s0 =	sadd.s32 @!p0 $0x100000, s0  }
0x194: {  	[sflag:s0] =	ssyncadd.tile.s32 @!p0 $0x1;
	_ =	shalt  }
.Lfunc_end2:
_tile_overlayer_lowered:
.L_overlay_start_2:
0x195: {  	(tag) =	ssettag $0x2  }
0x196: {  	s0 =	rddreg [dreg:$0x0];
	s2 =	stileid.u32  }
0x197: {  	s1 =	rddreg [dreg:$0x1];
	p0 =	sne.s32 s2, $0x0  }
0x198: {  	s3 =	rddreg [dreg:$0x2];
	[bflag:$0x3] =	sbarrier.arrive $0xFFFF;
	s2 =	simm.s32 @!p0 $0x1C02  }
0x199: {  	[timem:s3], [sflag:s2] =	dma.local @!p0 [hbm:s0], s1  }
0x19a: {  	s0 =	simm.s32 @!p0 $0x2  }
0x19b: {  	_ =	swait.ge @!p0 [sflag:s0], s1  }
0x19c: {  	s1 =	ssub.s32 @!p0 $0x0, s1;
	[sflag:s0] =	ssyncset.done @!p0 $0x0  }
0x19d: {  	[sflag:s0] =	ssyncadd.s32 @!p0 s1  }
0x19e: {  	[bflag:$0x3] =	sbarrier.arrive $0xFFFF  }
0x19f: {  	_ =	shalt  }

// kernel: kernel.7.cloned.1.call-start
scs
__scs_entry_jumppad:
0x0: {  	(pc) =	sbr.rel $0x88, $3  }
0x1: {  	(tag) =	ssettag $0x0;
	lr =	simm.s32 $0x1  }
0x2: {  	[smem:$0x3F98] =	sst lr;
	_ =	strace $0xD0000000  }
0x3: {  	_ = 	snop  }
0x4: {  	_ = 	snop  }
0x5: {  	_ = 	snop  }
0x6: {  	_ = 	snop  }
0x7: {  	_ = 	snop  }
__scs_overlays_trampoline_lowered:
0x8: {  	[smem:$0x3FA7] =	sst s0  }
0x9: {  	[smem:$0x3FA8] =	sst s1  }
0xa: {  	[smem:$0x3FA9] =	sst s2  }
0xb: {  	[smem:$0x3FAA] =	sst s3  }
0xc: {  	[smem:$0x3FAB] =	sst s4  }
0xd: {  	[smem:$0x3FAC] =	sst s5  }
0xe: {  	[smem:$0x3FAD] =	sst s6  }
0xf: {  	[smem:$0x3FAE] =	sst s7  }
0x10: {  	[smem:$0x3FAF] =	sst s8  }
0x11: {  	[smem:$0x3FB0] =	sst s9;
	s0 =	simm.s32 @!p0 $0x0  }
0x12: {  	s1 =	sld [smem:$0x3F96];
	s0 =	simm.s32 @p0 $0x1  }
0x13: {  	[smem:$0x3FB1] =	sst s0;
	s0 =	simm.s32 @!p1 $0x0  }
0x14: {  	s2 =	sld [smem:$0x3F95];
	s0 =	simm.s32 @p1 $0x1  }
0x15: {  	[smem:$0x3FB2] =	sst s0;
	s0 =	simm.s32 @!p2 $0x0  }
0x16: {  	s3 =	sld [smem:$0x3FDB];
	s0 =	simm.s32 @p2 $0x1  }
0x17: {  	s4 =	simm.s32 $0x1BF5;
	[smem:$0x3FB4] =	sst s0  }
0x18: {  	s0 =	sld [smem:$0x3F97];
	_ =	swait.ge [sflag:s4], $0x0  }
0x19: {  	s7 =	sld [smem:$0x3F98]  }
0x1a: {  	s8 =	sadd.s32 $0xFFFFE003, lr  }
0x1b: {  	s9 =	sadd.s32 $0xFFFFFEF7, lr;
	s5 =	simm.s32 $0xFFFFFFFF;
	p2 =	slt.u32 s8, $0xFFFFF086  }
0x1c: {  	p1 =	slt.u32 s9, $0xF7A;
	s5 =	simm.s32 @!p2 $0x0  }
0x1d: {  	s5 =	simm.s32 @p1 $0x1;
	p0 =	seq.s32 s7, s2  }
0x1e: {  	s7 =	smul.u32 @!p0 $0xF7A, s2;
	p2 =	seq.s32 @!p0 s5, $0x0  }
0x1f: {  	s9 =	smul.u32 $0xF7A, s1;
	s8 =	simm.s32 @!p0 $0x1BF5;
	p2 =	por !p2, p0  }
0x20: {  	[sflag:s8] =	ssyncset.s32 @!p0 $0xFFFFF086;
	s6 =	sadd.s32 @!p0 s3, s7;
	s7 =	simm.s32 @!p0 $0x108  }
0x21: {  	s3 =	sadd.s32 s3, s9;
	s6 =	sadd.s32 @!p0 $0x88, s6;
	s7 =	simm.s32 @p2 $0x1082  }
0x22: {  	[simem:s7], [sflag:s8] =	dma.local @!p0 [hbm:s6], $0xF7A  }
0x23: {  	s9 =	sor.u32 $0xD0000000, s2;
	s6 =	simm.s32 $0x108;
	_ =	swait.ge @!p0 [sflag:s8], $0x0  }
0x24: {  	s3 =	sadd.s32 $0x88, s3;
	s6 =	simm.s32 @!p1 $0x1082;
	[sflag:s4] =	ssyncset.s32 $0xFFFFF086  }
0x25: {  	[simem:s6], [sflag:s4] =	dma.local [hbm:s3], $0xF7A  }
0x26: {  	[smem:$0x3F98] =	sst s1;
	(tag) =	ssettag s2;
	_ =	strace s9  }
0x27: {  	s1 =	sld [smem:$0x3FA8]  }
0x28: {  	s2 =	sld [smem:$0x3FA9]  }
0x29: {  	s4 =	sld [smem:$0x3FAB]  }
0x2a: {  	p0 =	seq.s32 s5, $0x0;
	s5 =	sld [smem:$0x3FAC]  }
0x2b: {  	s6 =	sld [smem:$0x3FAD]  }
0x2c: {  	s7 =	sld [smem:$0x3FAE]  }
0x2d: {  	s3 =	simm.s32 $0x108;
	s8 =	sld [smem:$0x3FAF]  }
0x2e: {  	s3 =	simm.s32 @!p0 $0x1082;
	s9 =	sld [smem:$0x3FB0]  }
0x2f: {  	lr =	sadd.s32 s0, s3;
	s0 =	sld [smem:$0x3FA7]  }
0x30: {  	s3 =	sld [smem:$0x3FAA]  }
0x31: {  	[smem:$0x3FB3] =	sst s10  }
0x32: {  	s10 =	sld [smem:$0x3FB1];
	_ =	sdelay $0x3  }
0x33: {  	p0 =	seq.s32 s10, $0x1;
	s10 =	sld [smem:$0x3FB3];
	_ =	sdelay $0x3  }
0x34: {  	[smem:$0x3FB3] =	sst s10  }
0x35: {  	s10 =	sld [smem:$0x3FB2];
	_ =	sdelay $0x3  }
0x36: {  	p1 =	seq.s32 s10, $0x1;
	s10 =	sld [smem:$0x3FB3];
	_ =	sdelay $0x3  }
0x37: {  	[smem:$0x3FB3] =	sst s10  }
0x38: {  	s10 =	sld [smem:$0x3FB4]  }
0x39: {  	_ = 	snop;
	(pc) =	sbr.ind lr, $3  }
0x3a: {  	_ = 	snop  }
0x3b: {  	_ = 	snop  }
0x3c: {  	p2 =	seq.s32 s10, $0x1;
	s10 =	sld [smem:$0x3FB3]  }
0x3d: {  	_ =	shalt  }
0x3e: {  	_ =	shalt  }
0x3f: {  	_ =	shalt  }
0x40: {  	_ =	shalt  }
0x41: {  	_ =	shalt  }
0x42: {  	_ =	shalt  }
0x43: {  	_ =	shalt  }
0x44: {  	_ =	shalt  }
0x45: {  	_ =	shalt  }
0x46: {  	_ =	shalt  }
0x47: {  	_ =	shalt  }
0x48: {  	_ =	shalt  }
0x49: {  	_ =	shalt  }
0x4a: {  	_ =	shalt  }
0x4b: {  	_ =	shalt  }
0x4c: {  	_ =	shalt  }
0x4d: {  	_ =	shalt  }
0x4e: {  	_ =	shalt  }
0x4f: {  	_ =	shalt  }
0x50: {  	_ =	shalt  }
0x51: {  	_ =	shalt  }
0x52: {  	_ =	shalt  }
0x53: {  	_ =	shalt  }
0x54: {  	_ =	shalt  }
0x55: {  	_ =	shalt  }
0x56: {  	_ =	shalt  }
0x57: {  	_ =	shalt  }
0x58: {  	_ =	shalt  }
0x59: {  	_ =	shalt  }
0x5a: {  	_ =	shalt  }
0x5b: {  	_ =	shalt  }
0x5c: {  	_ =	shalt  }
0x5d: {  	_ =	shalt  }
0x5e: {  	_ =	shalt  }
0x5f: {  	_ =	shalt  }
0x60: {  	_ =	shalt  }
0x61: {  	_ =	shalt  }
0x62: {  	_ =	shalt  }
0x63: {  	_ =	shalt  }
0x64: {  	_ =	shalt  }
0x65: {  	_ =	shalt  }
0x66: {  	_ =	shalt  }
0x67: {  	_ =	shalt  }
0x68: {  	_ =	shalt  }
0x69: {  	_ =	shalt  }
0x6a: {  	_ =	shalt  }
0x6b: {  	_ =	shalt  }
0x6c: {  	_ =	shalt  }
0x6d: {  	_ =	shalt  }
0x6e: {  	_ =	shalt  }
0x6f: {  	_ =	shalt  }
0x70: {  	_ =	shalt  }
0x71: {  	_ =	shalt  }
0x72: {  	_ =	shalt  }
0x73: {  	_ =	shalt  }
0x74: {  	_ =	shalt  }
0x75: {  	_ =	shalt  }
0x76: {  	_ =	shalt  }
0x77: {  	_ =	shalt  }
0x78: {  	_ =	shalt  }
0x79: {  	_ =	shalt  }
0x7a: {  	_ =	shalt  }
0x7b: {  	_ =	shalt  }
0x7c: {  	_ =	shalt  }
0x7d: {  	_ =	shalt  }
0x7e: {  	_ =	shalt  }
0x7f: {  	_ =	shalt  }
0x80: {  	_ =	shalt  }
0x81: {  	_ =	shalt  }
0x82: {  	_ =	shalt  }
0x83: {  	_ =	shalt  }
0x84: {  	_ =	shalt  }
0x85: {  	_ =	shalt  }
0x86: {  	_ =	shalt  }
0x87: {  	_ =	shalt  }
.Lfunc_end0:
.L_simem_size_0:
called_computation_lowered:
.L_overlay_start_0:
0x88: {  	s2 =	sld [smem:$0x3FD9]  }
0x89: {  	s3 =	sld [smem:$0x3FFE];
	_ =	sdelay $0x1  }
0x8a: {  	s1 =	srdreg.scid  }
0x8b: {  	s0 =	sand.u32 $0x1, s1  }
0x8c: {  	s17 =	sshll.u32 s0, $0xA;
	s2 =	sadd.s32 s3, s2  }
0x8d: {  	s2 =	sadd.s32 s2, s17  }
0x8e: {  	[smem:$0x3FBF] =	sst s2  }
0x8f: {  	_ = 	snop  }
0x90: {  	s2 =	sld [smem:$0x3FC9];
	(tm) =	ssettm $0x1  }
0x91: {  	s18 =	sld [smem:$0x3FFB];
	_ =	sdelay $0x3  }
0x92: {  	_ =	strace s18  }
0x93: {  	s3 =	sld [smem:$0x3FFC];
	_ =	sdelay $0x3  }
0x94: {  	_ =	strace s3  }
0x95: {  	s3 =	sld [smem:$0x3FFD];
	_ =	sdelay $0x3  }
0x96: {  	_ =	strace s3  }
0x97: {  	_ =	strace $0x8FFFFFFF  }
0x98: {  	s19 =	sld [smem:$0x3FDB];
	_ =	sdelay $0x1  }
0x99: {  	s4 =	simm.s32 $_scs_section_size  }
0x9a: {  	s5 =	simm.s32 $_size__tile_overlayer_lowered;
	s6 =	simm.s32 $_tile_overlayer_lowered  }
0x9b: {  	s22 =	simm.s32 $0x1BFF;
	s21 =	sshll.u32 s6, $0x1;
	s3 =	sadd.s32 s4, s19  }
0x9c: {  	s7 =	simm.s32 $0x0;
	s20 =	sshll.u32 s5, $0x1;
	s5 =	sadd.s32 s21, s3  }
0x9d: {  	[timem:s7], [sflag:s22] =	dma.local [hbm:s5], s20  }
0x9e: {  	_ =	swait.ge [sflag:s22], s20  }
0x9f: {  	s4 =	ssub.s32 $0x0, s20;
	[sflag:s22] =	ssyncset.done $0x0  }
0xa0: {  	[sflag:s22] =	ssyncadd.s32 s4;
	_ =	sdelay $0x1  }
0xa1: {  	s23 =	simm.s32 $0x1B8B  }
0xa2: {  	_ =	swait.ge [sflag:s23], $0x1  }
0xa3: {  	[sflag:s23] =	ssyncset.done $0x0  }
0xa4: {  	s25 =	simm.s32 $0x1B8E;
	s24 =	sld [smem:$0x3FFE];
	[sflag:s23] =	ssyncadd.s32 $0xFFFFFFFF  }
0xa5: {  	s26 =	simm.s32 $execute0_lowered;
	[smem:$0x3FD2] =	sst s25  }
0xa6: {  	s5 =	sshll.u32 s26, $0x1;
	_ =	strace $0x80000046;
	[dreg:$0x1] =	wrdreg $0xFFFFFFFF  }
0xa7: {  	s28 =	simm.s32 $_size_execute0_lowered;
	s3 =	sadd.s32 s3, s5;
	[dreg:$0x0] =	wrdreg $0x0  }
0xa8: {  	s5 =	sshll.u32 s28, $0x1;
	[dreg:$0x2] =	wrdreg s3  }
0xa9: {  	[dreg:$0x3] =	wrdreg s5  }
0xaa: {  	[dreg:$0x4] =	wrdreg $0xC0  }
0xab: {  	_ =	task [dreg:s7], $0x5FFFF  }
0xac: {  	[dreg:$0x1] =	wrdreg $0xFFFFFFFF  }
0xad: {  	[dreg:$0x0] =	wrdreg $0x60  }
0xae: {  	[dreg:$0x2] =	wrdreg s2  }
0xaf: {  	[dreg:$0x3] =	wrdreg s24  }
0xb0: {  	[dreg:$0x4] =	wrdreg $0x9  }
0xb1: {  	_ =	task.clear_ibuf [dreg:s7], $0x5FFFF;
	_ =	strace $0x90000046  }
0xb2: {  	s29 =	simm.s32 $0x9;
	_ =	strace $0x80000048  }
0xb3: {  	_ =	swait.ge [sflag:s29], $0x1  }
0xb4: {  	[sflag:s29] =	ssyncadd.s32 $0xFFFFFFFF  }
0xb5: {  	_ =	strace $0x90000048  }
0xb6: {  	_ =	sfence  }
0xb7: {  	s30 =	sld [smem:$0x0];
	_ =	sdelay $0x2  }
0xb8: {  	s31 =	sshll.u32 s1, $0xD;
	s1 =	sshrl.u32 s1, $0x2  }
0xb9: {  	s3 =	sand.u32 $0x4000, s31;
	s1 =	sadd.s32 s1, s30  }
0xba: {  	s0 =	sor.u32 s3, s0;
	s1 =	sshll.u32 s1, $0x11  }
0xbb: {  	s0 =	sor.u32 s1, s0  }
0xbc: {  	s0 =	sadd.s32 $0x8F2B, s0  }
0xbd: {  	[sflag:s0] =	ssyncadd.remote.s32 $0x1  }
0xbe: {  	_ =	sfence.sel $0xFFFF  }
0xbf: {  	[dreg:$0x0] =	wrdreg $0xFFFFFFFF;
	(pc) =	sbr.abs _section_cstart, $3  }
0xc0: {  	[dreg:$0x1] =	wrdreg $0xFFFFFFFF  }
0xc1: {  	_ =	task.clear_ibuf [dreg:s7], $0x2FFFF;
	_ =	strace $0x9FFFFFFF  }
0xc2: {  	(tm) =	ssettm $0x7FFFFFFF  }
0xc3: {  	_ =	shalt  }
tec
execute0_lowered:
.L_overlay_start_1:
0x0: {  	(tag) =	ssettag $0x1  }
0x1: {  	s0 =	rddreg [dreg:$0x0]  }
0x2: {  	s1 =	rddreg [dreg:$0x1];
	s2 =	simm.s32 $0x0;
	s3 =	srdreg.scid  }
0x3: {  	s5 =	stileid.u32;
	s20 =	simm.s32 $0x1;
	[smem:$0x7FF] =	sst s2  }
0x4: {  	s4 =	sand.u32 $0x1, s3;
	s24 =	sshll.u32 s5, $0x1;
	s25 =	sadd.s32 $0x24800, s1  }
0x5: {  	s6 =	sadd.s32 $0x24C00, s1;
	s3 =	sadd.s32 $0x25000, s1;
	s7 =	sor.u32 s4, s24  }
0x6: {  	s5 =	sadd.s32 $0x25100, s1;
	s4 =	ssub.s32 $0x2, s4;
	s8 =	sshll.u32 s7, $0x5  }
0x7: {  	_ =	strace $0x80000047;
	s9 =	sshrl.u32 s4, $0x1;
	s10 =	sadd.s32 s25, s8  }
0x8: {  	s7 =	sshll.u32 s7, $0xE;
	s26 =	sadd.s32 s6, s8;
	[dreg:$0x3] =	wrdreg s10  }
0x9: {  	s7 =	sadd.s32 s0, s7;
	s29 =	sor.u32 $0x10, s8;
	[dreg:$0x4] =	wrdreg s26  }
0xa: {  	s4 =	ssub.s32 s4, s9;
	[dreg:$0x8] =	wrdreg s7;
	s28 =	sadd.s32 $0x2000, s7  }
0xb: {  	v2 =	vlaneseq.u32;
	s30 =	sadd.s32 s25, s29;
	s31 =	sadd.s32 s6, s29;
	[dreg:$0x5] =	wrdreg s28  }
0xc: {  	vm0 =	vmmov $0xffff;
	v1 =	vshrl.u32 v2, $0x3;
	s6 =	sadd.s32 $0x25200, s1;
	s7 =	sadd.s32 $0x25300, s1;
	[dreg:$0x6] =	wrdreg s30  }
0xd: {  	v0 =	vand.u32 $0x7, v2;
	v2 =	vor.u32 $0x8, v2;
	v1 =	vmul.u32 $0x8, v1;
	s8 =	smax.u32 s4, $0x1;
	s10 =	simm.s32 $0x2;
	[dreg:$0x7] =	wrdreg s31  }
.LBB2_1:
0xe: {  	s21 =	rddreg [dreg:$0x8];
	s4 =	simm.s32 $0x100  }
0xf: {  	[tilespmem:s4], [sflag:$0x2] =	stream.linear.gather [hbm4b:s21+s2], $0x10000, $0x38;
	[tilespmem:$0x10100] =	vst v63  }
0x10: {  	_ =	swait.ge [sflag:s10], $0x10000  }
0x11: {  	[sflag:s10] =	ssyncset.done $0x0  }
0x12: {  	s23 =	rddreg [dreg:$0x3];
	[sflag:s10] =	ssyncadd.s32 $0xFFFF0000  }
0x13: {  	[tilespmem:s2], [sflag:$0x2] =	stream.linear.gather [hbm4b:s23+s2], $0x80, $0x38;
	[tilespmem:$0x10100] =	vst v63  }
0x14: {  	_ =	swait.ge [sflag:s10], $0x80  }
0x15: {  	[sflag:s10] =	ssyncset.done $0x0  }
0x16: {  	s0 =	simm.s32 $0x80;
	s24 =	rddreg [dreg:$0x4];
	[sflag:s10] =	ssyncadd.s32 $0xFFFFFF80  }
0x17: {  	[tilespmem:s0], [sflag:$0x2] =	stream.linear.gather [hbm4b:s24+s2], $0x80, $0x38;
	[tilespmem:$0x10100] =	vst v63  }
0x18: {  	_ =	swait.ge [sflag:s10], $0x80  }
0x19: {  	[sflag:s10] =	ssyncset.done $0x0  }
0x1a: {  	[sflag:s10] =	ssyncadd.s32 $0xFFFFFF80  }
0x1b: {  	v3 =	vld [tilespmem:$0x0];
	_ =	sdelay $0x4  }
0x1c: {  	v4 =	vshll.u32 v3, $0x3  }
0x1d: {  	v3 =	vand.u32 $0x7, v3;
	v4 =	vand.u32 $0xFFFFFFC0, v4  }
0x1e: {  	v3 =	vor.u32 v3, v4  }
0x1f: {  	v4 =	vperm.xlane v3, v0;
	_ =	sdelay $0x1  }
0x20: {  	v4 =	vadd.s32 v1, v4;
	_ =	sdelay $0x4  }
0x21: {  	[hbm4b:s3+s2] =	stream.indirect_vreg.scatter [tilespmem:s4], [sflag:$0x1], $0x80, v4, vm0, $0xb8;
	[tilespmem:$0x10100] =	vst v63  }
0x22: {  	s25 =	simm.s32 $0x900;
	v3 =	vperm.xlane v3, v2  }
0x23: {  	[hbm4b:s5+s2] =	stream.indirect_vreg.scatter [tilespmem:s25], [sflag:$0x1], $0x80, v4, vm0, $0xb8;
	[tilespmem:$0x10100] =	vst v63  }
0x24: {  	s26 =	simm.s32 $0x1100;
	v3 =	vadd.s32 v1, v3  }
0x25: {  	[hbm4b:s6+s2] =	stream.indirect_vreg.scatter [tilespmem:s26], [sflag:$0x1], $0x80, v4, vm0, $0xb8;
	[tilespmem:$0x10100] =	vst v63  }
0x26: {  	s28 =	simm.s32 $0x1900  }
0x27: {  	[hbm4b:s7+s2] =	stream.indirect_vreg.scatter [tilespmem:s28], [sflag:$0x1], $0x80, v4, vm0, $0xb8;
	[tilespmem:$0x10100] =	vst v63  }
0x28: {  	s29 =	simm.s32 $0x2100  }
0x29: {  	[hbm4b:s3+s2] =	stream.indirect_vreg.scatter [tilespmem:s29], [sflag:$0x1], $0x80, v3, vm0, $0xb8;
	[tilespmem:$0x10100] =	vst v63  }
0x2a: {  	s30 =	simm.s32 $0x2900  }
0x2b: {  	[hbm4b:s5+s2] =	stream.indirect_vreg.scatter [tilespmem:s30], [sflag:$0x1], $0x80, v3, vm0, $0xb8;
	[tilespmem:$0x10100] =	vst v63  }
0x2c: {  	s31 =	simm.s32 $0x3100  }
0x2d: {  	[hbm4b:s6+s2] =	stream.indirect_vreg.scatter [tilespmem:s31], [sflag:$0x1], $0x80, v3, vm0, $0xb8;
	[tilespmem:$0x10100] =	vst v63  }
0x2e: {  	s1 =	simm.s32 $0x3900  }
0x2f: {  	[hbm4b:s7+s2] =	stream.indirect_vreg.scatter [tilespmem:s1], [sflag:$0x1], $0x80, v3, vm0, $0xb8;
	[tilespmem:$0x10100] =	vst v63  }
0x30: {  	v3 =	vld [tilespmem:$0x10];
	_ =	sdelay $0x4  }
0x31: {  	v49 =	vshll.u32 v3, $0x3  }
0x32: {  	v3 =	vand.u32 $0x7, v3;
	v4 =	vand.u32 $0xFFFFFFC0, v49  }
0x33: {  	v3 =	vor.u32 v3, v4  }
0x34: {  	v4 =	vperm.xlane v3, v0;
	_ =	sdelay $0x1  }
0x35: {  	v4 =	vadd.s32 v1, v4;
	_ =	sdelay $0x3  }
0x36: {  	s9 =	simm.s32 $0x4100  }
0x37: {  	[hbm4b:s3+s2] =	stream.indirect_vreg.scatter [tilespmem:s9], [sflag:$0x1], $0x80, v4, vm0, $0xb8;
	[tilespmem:$0x10100] =	vst v63  }
0x38: {  	s11 =	simm.s32 $0x4900;
	v3 =	vperm.xlane v3, v2  }
0x39: {  	[hbm4b:s5+s2] =	stream.indirect_vreg.scatter [tilespmem:s11], [sflag:$0x1], $0x80, v4, vm0, $0xb8;
	[tilespmem:$0x10100] =	vst v63  }
0x3a: {  	s1 =	simm.s32 $0x5100;
	v3 =	vadd.s32 v1, v3  }
0x3b: {  	[hbm4b:s6+s2] =	stream.indirect_vreg.scatter [tilespmem:s1], [sflag:$0x1], $0x80, v4, vm0, $0xb8;
	[tilespmem:$0x10100] =	vst v63  }
0x3c: {  	s12 =	simm.s32 $0x5900  }
0x3d: {  	[hbm4b:s7+s2] =	stream.indirect_vreg.scatter [tilespmem:s12], [sflag:$0x1], $0x80, v4, vm0, $0xb8;
	[tilespmem:$0x10100] =	vst v63  }
0x3e: {  	s13 =	simm.s32 $0x6100  }
0x3f: {  	[hbm4b:s3+s2] =	stream.indirect_vreg.scatter [tilespmem:s13], [sflag:$0x1], $0x80, v3, vm0, $0xb8;
	[tilespmem:$0x10100] =	vst v63  }
0x40: {  	s14 =	simm.s32 $0x6900  }
0x41: {  	[hbm4b:s5+s2] =	stream.indirect_vreg.scatter [tilespmem:s14], [sflag:$0x1], $0x80, v3, vm0, $0xb8;
	[tilespmem:$0x10100] =	vst v63  }
0x42: {  	s15 =	simm.s32 $0x7100  }
0x43: {  	[hbm4b:s6+s2] =	stream.indirect_vreg.scatter [tilespmem:s15], [sflag:$0x1], $0x80, v3, vm0, $0xb8;
	[tilespmem:$0x10100] =	vst v63  }
0x44: {  	s21 =	simm.s32 $0x7900  }
0x45: {  	[hbm4b:s7+s2] =	stream.indirect_vreg.scatter [tilespmem:s21], [sflag:$0x1], $0x80, v3, vm0, $0xb8;
	[tilespmem:$0x10100] =	vst v63  }
0x46: {  	v3 =	vld [tilespmem:$0x20];
	_ =	sdelay $0x4  }
0x47: {  	v50 =	vshll.u32 v3, $0x3  }
0x48: {  	v3 =	vand.u32 $0x7, v3;
	v4 =	vand.u32 $0xFFFFFFC0, v50  }
0x49: {  	v3 =	vor.u32 v3, v4  }
0x4a: {  	v4 =	vperm.xlane v3, v0;
	_ =	sdelay $0x1  }
0x4b: {  	v4 =	vadd.s32 v1, v4;
	_ =	sdelay $0x3  }
0x4c: {  	s22 =	simm.s32 $0x8100  }
0x4d: {  	[hbm4b:s3+s2] =	stream.indirect_vreg.scatter [tilespmem:s22], [sflag:$0x1], $0x80, v4, vm0, $0xb8;
	[tilespmem:$0x10100] =	vst v63  }
0x4e: {  	s23 =	simm.s32 $0x8900;
	v3 =	vperm.xlane v3, v2  }
0x4f: {  	[hbm4b:s5+s2] =	stream.indirect_vreg.scatter [tilespmem:s23], [sflag:$0x1], $0x80, v4, vm0, $0xb8;
	[tilespmem:$0x10100] =	vst v63  }
0x50: {  	s24 =	simm.s32 $0x9100;
	v3 =	vadd.s32 v1, v3  }
0x51: {  	[hbm4b:s6+s2] =	stream.indirect_vreg.scatter [tilespmem:s24], [sflag:$0x1], $0x80, v4, vm0, $0xb8;
	[tilespmem:$0x10100] =	vst v63  }
0x52: {  	s31 =	simm.s32 $0x9900  }
0x53: {  	[hbm4b:s7+s2] =	stream.indirect_vreg.scatter [tilespmem:s31], [sflag:$0x1], $0x80, v4, vm0, $0xb8;
	[tilespmem:$0x10100] =	vst v63  }
0x54: {  	s1 =	simm.s32 $0xA100  }
0x55: {  	[hbm4b:s3+s2] =	stream.indirect_vreg.scatter [tilespmem:s1], [sflag:$0x1], $0x80, v3, vm0, $0xb8;
	[tilespmem:$0x10100] =	vst v63  }
0x56: {  	s9 =	simm.s32 $0xA900  }
0x57: {  	[hbm4b:s5+s2] =	stream.indirect_vreg.scatter [tilespmem:s9], [sflag:$0x1], $0x80, v3, vm0, $0xb8;
	[tilespmem:$0x10100] =	vst v63  }
0x58: {  	s11 =	simm.s32 $0xB100  }
0x59: {  	[hbm4b:s6+s2] =	stream.indirect_vreg.scatter [tilespmem:s11], [sflag:$0x1], $0x80, v3, vm0, $0xb8;
	[tilespmem:$0x10100] =	vst v63  }
0x5a: {  	s12 =	simm.s32 $0xB900  }
0x5b: {  	[hbm4b:s7+s2] =	stream.indirect_vreg.scatter [tilespmem:s12], [sflag:$0x1], $0x80, v3, vm0, $0xb8;
	[tilespmem:$0x10100] =	vst v63  }
0x5c: {  	v3 =	vld [tilespmem:$0x30];
	_ =	sdelay $0x4  }
0x5d: {  	v51 =	vshll.u32 v3, $0x3  }
0x5e: {  	v3 =	vand.u32 $0x7, v3;
	v4 =	vand.u32 $0xFFFFFFC0, v51  }
0x5f: {  	v3 =	vor.u32 v3, v4  }
0x60: {  	v4 =	vperm.xlane v3, v0;
	_ =	sdelay $0x1  }
0x61: {  	v4 =	vadd.s32 v1, v4;
	_ =	sdelay $0x3  }
0x62: {  	s31 =	simm.s32 $0xC100  }
0x63: {  	[hbm4b:s3+s2] =	stream.indirect_vreg.scatter [tilespmem:s31], [sflag:$0x1], $0x80, v4, vm0, $0xb8;
	[tilespmem:$0x10100] =	vst v63  }
0x64: {  	s0 =	simm.s32 $0xC900;
	v3 =	vperm.xlane v3, v2  }
0x65: {  	[hbm4b:s5+s2] =	stream.indirect_vreg.scatter [tilespmem:s0], [sflag:$0x1], $0x80, v4, vm0, $0xb8;
	[tilespmem:$0x10100] =	vst v63  }
0x66: {  	s1 =	simm.s32 $0xD100;
	v3 =	vadd.s32 v1, v3  }
0x67: {  	[hbm4b:s6+s2] =	stream.indirect_vreg.scatter [tilespmem:s1], [sflag:$0x1], $0x80, v4, vm0, $0xb8;
	[tilespmem:$0x10100] =	vst v63  }
0x68: {  	s31 =	simm.s32 $0xD900  }
0x69: {  	[hbm4b:s7+s2] =	stream.indirect_vreg.scatter [tilespmem:s31], [sflag:$0x1], $0x80, v4, vm0, $0xb8;
	[tilespmem:$0x10100] =	vst v63  }
0x6a: {  	s0 =	simm.s32 $0xE100  }
0x6b: {  	[hbm4b:s3+s2] =	stream.indirect_vreg.scatter [tilespmem:s0], [sflag:$0x1], $0x80, v3, vm0, $0xb8;
	[tilespmem:$0x10100] =	vst v63  }
0x6c: {  	s1 =	simm.s32 $0xE900  }
0x6d: {  	[hbm4b:s5+s2] =	stream.indirect_vreg.scatter [tilespmem:s1], [sflag:$0x1], $0x80, v3, vm0, $0xb8;
	[tilespmem:$0x10100] =	vst v63  }
0x6e: {  	s0 =	simm.s32 $0xF100  }
0x6f: {  	[hbm4b:s6+s2] =	stream.indirect_vreg.scatter [tilespmem:s0], [sflag:$0x1], $0x80, v3, vm0, $0xb8;
	[tilespmem:$0x10100] =	vst v63  }
0x70: {  	s1 =	simm.s32 $0xF900  }
0x71: {  	[hbm4b:s7+s2] =	stream.indirect_vreg.scatter [tilespmem:s1], [sflag:$0x1], $0x80, v3, vm0, $0xb8;
	[tilespmem:$0x10100] =	vst v63  }
0x72: {  	v3 =	vld [tilespmem:$0x80];
	_ =	sdelay $0x4  }
0x73: {  	v52 =	vshll.u32 v3, $0x3  }
0x74: {  	v3 =	vand.u32 $0x7, v3;
	v4 =	vand.u32 $0xFFFFFFC0, v52  }
0x75: {  	v3 =	vor.u32 v3, v4  }
0x76: {  	v4 =	vperm.xlane v3, v0;
	_ =	sdelay $0x1  }
0x77: {  	v4 =	vadd.s32 v1, v4;
	_ =	sdelay $0x4  }
0x78: {  	[hbm4b:s3+s2] =	stream.indirect_vreg.scatter [tilespmem:s4], [sflag:$0x1], $0x80, v4, vm0, $0xb8;
	[tilespmem:$0x10100] =	vst v63  }
0x79: {  	s17 =	simm.s32 $0x900;
	v3 =	vperm.xlane v3, v2  }
0x7a: {  	[hbm4b:s5+s2] =	stream.indirect_vreg.scatter [tilespmem:s17], [sflag:$0x1], $0x80, v4, vm0, $0xb8;
	[tilespmem:$0x10100] =	vst v63  }
0x7b: {  	s25 =	simm.s32 $0x1100;
	v3 =	vadd.s32 v1, v3  }
0x7c: {  	[hbm4b:s6+s2] =	stream.indirect_vreg.scatter [tilespmem:s25], [sflag:$0x1], $0x80, v4, vm0, $0xb8;
	[tilespmem:$0x10100] =	vst v63  }
0x7d: {  	s26 =	simm.s32 $0x1900  }
0x7e: {  	[hbm4b:s7+s2] =	stream.indirect_vreg.scatter [tilespmem:s26], [sflag:$0x1], $0x80, v4, vm0, $0xb8;
	[tilespmem:$0x10100] =	vst v63  }
0x7f: {  	s28 =	simm.s32 $0x2100  }
0x80: {  	[hbm4b:s3+s2] =	stream.indirect_vreg.scatter [tilespmem:s28], [sflag:$0x1], $0x80, v3, vm0, $0xb8;
	[tilespmem:$0x10100] =	vst v63  }
0x81: {  	s29 =	simm.s32 $0x2900  }
0x82: {  	[hbm4b:s5+s2] =	stream.indirect_vreg.scatter [tilespmem:s29], [sflag:$0x1], $0x80, v3, vm0, $0xb8;
	[tilespmem:$0x10100] =	vst v63  }
0x83: {  	s30 =	simm.s32 $0x3100  }
0x84: {  	[hbm4b:s6+s2] =	stream.indirect_vreg.scatter [tilespmem:s30], [sflag:$0x1], $0x80, v3, vm0, $0xb8;
	[tilespmem:$0x10100] =	vst v63  }
0x85: {  	s18 =	simm.s32 $0x3900  }
0x86: {  	[hbm4b:s7+s2] =	stream.indirect_vreg.scatter [tilespmem:s18], [sflag:$0x1], $0x80, v3, vm0, $0xb8;
	[tilespmem:$0x10100] =	vst v63  }
0x87: {  	v3 =	vld [tilespmem:$0x90];
	_ =	sdelay $0x4  }
0x88: {  	v53 =	vshll.u32 v3, $0x3  }
0x89: {  	v3 =	vand.u32 $0x7, v3;
	v4 =	vand.u32 $0xFFFFFFC0, v53  }
0x8a: {  	v3 =	vor.u32 v3, v4  }
0x8b: {  	v4 =	vperm.xlane v3, v0;
	_ =	sdelay $0x1  }
0x8c: {  	v4 =	vadd.s32 v1, v4;
	_ =	sdelay $0x3  }
0x8d: {  	s19 =	simm.s32 $0x4100  }
0x8e: {  	[hbm4b:s3+s2] =	stream.indirect_vreg.scatter [tilespmem:s19], [sflag:$0x1], $0x80, v4, vm0, $0xb8;
	[tilespmem:$0x10100] =	vst v63  }
0x8f: {  	s16 =	simm.s32 $0x4900;
	v3 =	vperm.xlane v3, v2  }
0x90: {  	[hbm4b:s5+s2] =	stream.indirect_vreg.scatter [tilespmem:s16], [sflag:$0x1], $0x80, v4, vm0, $0xb8;
	[tilespmem:$0x10100] =	vst v63  }
0x91: {  	s0 =	simm.s32 $0x5100;
	v3 =	vadd.s32 v1, v3  }
0x92: {  	[hbm4b:s6+s2] =	stream.indirect_vreg.scatter [tilespmem:s0], [sflag:$0x1], $0x80, v4, vm0, $0xb8;
	[tilespmem:$0x10100] =	vst v63  }
0x93: {  	s1 =	simm.s32 $0x5900  }
0x94: {  	[hbm4b:s7+s2] =	stream.indirect_vreg.scatter [tilespmem:s1], [sflag:$0x1], $0x80, v4, vm0, $0xb8;
	[tilespmem:$0x10100] =	vst v63  }
0x95: {  	s18 =	simm.s32 $0x6100  }
0x96: {  	[hbm4b:s3+s2] =	stream.indirect_vreg.scatter [tilespmem:s18], [sflag:$0x1], $0x80, v3, vm0, $0xb8;
	[tilespmem:$0x10100] =	vst v63  }
0x97: {  	s19 =	simm.s32 $0x6900  }
0x98: {  	[hbm4b:s5+s2] =	stream.indirect_vreg.scatter [tilespmem:s19], [sflag:$0x1], $0x80, v3, vm0, $0xb8;
	[tilespmem:$0x10100] =	vst v63  }
0x99: {  	s25 =	simm.s32 $0x7100  }
0x9a: {  	[hbm4b:s6+s2] =	stream.indirect_vreg.scatter [tilespmem:s25], [sflag:$0x1], $0x80, v3, vm0, $0xb8;
	[tilespmem:$0x10100] =	vst v63  }
0x9b: {  	s13 =	simm.s32 $0x7900  }
0x9c: {  	[hbm4b:s7+s2] =	stream.indirect_vreg.scatter [tilespmem:s13], [sflag:$0x1], $0x80, v3, vm0, $0xb8;
	[tilespmem:$0x10100] =	vst v63  }
0x9d: {  	v3 =	vld [tilespmem:$0xA0];
	_ =	sdelay $0x4  }
0x9e: {  	v54 =	vshll.u32 v3, $0x3  }
0x9f: {  	v3 =	vand.u32 $0x7, v3;
	v4 =	vand.u32 $0xFFFFFFC0, v54  }
0xa0: {  	v3 =	vor.u32 v3, v4  }
0xa1: {  	v4 =	vperm.xlane v3, v0;
	_ =	sdelay $0x1  }
0xa2: {  	v4 =	vadd.s32 v1, v4;
	_ =	sdelay $0x3  }
0xa3: {  	s14 =	simm.s32 $0x8100  }
0xa4: {  	[hbm4b:s3+s2] =	stream.indirect_vreg.scatter [tilespmem:s14], [sflag:$0x1], $0x80, v4, vm0, $0xb8;
	[tilespmem:$0x10100] =	vst v63  }
0xa5: {  	s15 =	simm.s32 $0x8900;
	v3 =	vperm.xlane v3, v2  }
0xa6: {  	[hbm4b:s5+s2] =	stream.indirect_vreg.scatter [tilespmem:s15], [sflag:$0x1], $0x80, v4, vm0, $0xb8;
	[tilespmem:$0x10100] =	vst v63  }
0xa7: {  	s22 =	simm.s32 $0x9100;
	v3 =	vadd.s32 v1, v3  }
0xa8: {  	[hbm4b:s6+s2] =	stream.indirect_vreg.scatter [tilespmem:s22], [sflag:$0x1], $0x80, v4, vm0, $0xb8;
	[tilespmem:$0x10100] =	vst v63  }
0xa9: {  	s23 =	simm.s32 $0x9900  }
0xaa: {  	[hbm4b:s7+s2] =	stream.indirect_vreg.scatter [tilespmem:s23], [sflag:$0x1], $0x80, v4, vm0, $0xb8;
	[tilespmem:$0x10100] =	vst v63  }
0xab: {  	s24 =	simm.s32 $0xA100  }
0xac: {  	[hbm4b:s3+s2] =	stream.indirect_vreg.scatter [tilespmem:s24], [sflag:$0x1], $0x80, v3, vm0, $0xb8;
	[tilespmem:$0x10100] =	vst v63  }
0xad: {  	s22 =	simm.s32 $0xA900  }
0xae: {  	[hbm4b:s5+s2] =	stream.indirect_vreg.scatter [tilespmem:s22], [sflag:$0x1], $0x80, v3, vm0, $0xb8;
	[tilespmem:$0x10100] =	vst v63  }
0xaf: {  	s25 =	simm.s32 $0xB100  }
0xb0: {  	[hbm4b:s6+s2] =	stream.indirect_vreg.scatter [tilespmem:s25], [sflag:$0x1], $0x80, v3, vm0, $0xb8;
	[tilespmem:$0x10100] =	vst v63  }
0xb1: {  	s9 =	simm.s32 $0xB900  }
0xb2: {  	[hbm4b:s7+s2] =	stream.indirect_vreg.scatter [tilespmem:s9], [sflag:$0x1], $0x80, v3, vm0, $0xb8;
	[tilespmem:$0x10100] =	vst v63  }
0xb3: {  	v3 =	vld [tilespmem:$0xB0];
	_ =	sdelay $0x4  }
0xb4: {  	v55 =	vshll.u32 v3, $0x3  }
0xb5: {  	v3 =	vand.u32 $0x7, v3;
	v4 =	vand.u32 $0xFFFFFFC0, v55  }
0xb6: {  	v3 =	vor.u32 v3, v4  }
0xb7: {  	v4 =	vperm.xlane v3, v0;
	_ =	sdelay $0x1  }
0xb8: {  	v4 =	vadd.s32 v1, v4;
	_ =	sdelay $0x3  }
0xb9: {  	s11 =	simm.s32 $0xC100  }
0xba: {  	[hbm4b:s3+s2] =	stream.indirect_vreg.scatter [tilespmem:s11], [sflag:$0x1], $0x80, v4, vm0, $0xb8;
	[tilespmem:$0x10100] =	vst v63  }
0xbb: {  	s12 =	simm.s32 $0xC900;
	v3 =	vperm.xlane v3, v2  }
0xbc: {  	[hbm4b:s5+s2] =	stream.indirect_vreg.scatter [tilespmem:s12], [sflag:$0x1], $0x80, v4, vm0, $0xb8;
	[tilespmem:$0x10100] =	vst v63  }
0xbd: {  	v3 =	vadd.s32 v1, v3;
	s11 =	simm.s32 $0xD100  }
0xbe: {  	[hbm4b:s6+s2] =	stream.indirect_vreg.scatter [tilespmem:s11], [sflag:$0x1], $0x80, v4, vm0, $0xb8;
	[tilespmem:$0x10100] =	vst v63  }
0xbf: {  	s31 =	simm.s32 $0xD900  }
0xc0: {  	[hbm4b:s7+s2] =	stream.indirect_vreg.scatter [tilespmem:s31], [sflag:$0x1], $0x80, v4, vm0, $0xb8;
	[tilespmem:$0x10100] =	vst v63  }
0xc1: {  	s12 =	simm.s32 $0xE100  }
0xc2: {  	[hbm4b:s3+s2] =	stream.indirect_vreg.scatter [tilespmem:s12], [sflag:$0x1], $0x80, v3, vm0, $0xb8;
	[tilespmem:$0x10100] =	vst v63  }
0xc3: {  	s15 =	simm.s32 $0xE900  }
0xc4: {  	[hbm4b:s5+s2] =	stream.indirect_vreg.scatter [tilespmem:s15], [sflag:$0x1], $0x80, v3, vm0, $0xb8;
	[tilespmem:$0x10100] =	vst v63  }
0xc5: {  	s31 =	simm.s32 $0xF100  }
0xc6: {  	[hbm4b:s6+s2] =	stream.indirect_vreg.scatter [tilespmem:s31], [sflag:$0x1], $0x80, v3, vm0, $0xb8;
	[tilespmem:$0x10100] =	vst v63  }
0xc7: {  	s21 =	simm.s32 $0xF900  }
0xc8: {  	[hbm4b:s7+s2] =	stream.indirect_vreg.scatter [tilespmem:s21], [sflag:$0x1], $0x80, v3, vm0, $0xb8;
	[tilespmem:$0x10100] =	vst v63  }
0xc9: {  	_ =	swait.ge [sflag:s20], $0x10000  }
0xca: {  	[sflag:s20] =	ssyncset.done $0x0  }
0xcb: {  	[sflag:s20] =	ssyncadd.s32 $0xFFFF0000  }
0xcc: {  	_ =	swait.ge [sflag:s20], $0x10000  }
0xcd: {  	[sflag:s20] =	ssyncset.done $0x0  }
0xce: {  	s31 =	rddreg [dreg:$0x5];
	[sflag:s20] =	ssyncadd.s32 $0xFFFF0000  }
0xcf: {  	[tilespmem:s4], [sflag:$0x2] =	stream.linear.gather [hbm4b:s31+s2], $0x10000, $0x38;
	[tilespmem:$0x10100] =	vst v63  }
0xd0: {  	_ =	swait.ge [sflag:s10], $0x10000  }
0xd1: {  	[sflag:s10] =	ssyncset.done $0x0  }
0xd2: {  	s31 =	rddreg [dreg:$0x6];
	[sflag:s10] =	ssyncadd.s32 $0xFFFF0000  }
0xd3: {  	[tilespmem:s2], [sflag:$0x2] =	stream.linear.gather [hbm4b:s31+s2], $0x80, $0x38;
	[tilespmem:$0x10100] =	vst v63  }
0xd4: {  	_ =	swait.ge [sflag:s10], $0x80  }
0xd5: {  	[sflag:s10] =	ssyncset.done $0x0  }
0xd6: {  	s31 =	simm.s32 $0x80;
	s21 =	rddreg [dreg:$0x7];
	[sflag:s10] =	ssyncadd.s32 $0xFFFFFF80  }
0xd7: {  	[tilespmem:s31], [sflag:$0x2] =	stream.linear.gather [hbm4b:s21+s2], $0x80, $0x38;
	[tilespmem:$0x10100] =	vst v63  }
0xd8: {  	_ =	swait.ge [sflag:s10], $0x80  }
0xd9: {  	[sflag:s10] =	ssyncset.done $0x0  }
0xda: {  	[sflag:s10] =	ssyncadd.s32 $0xFFFFFF80  }
0xdb: {  	v3 =	vld [tilespmem:$0x0];
	_ =	sdelay $0x4  }
0xdc: {  	v56 =	vshll.u32 v3, $0x3  }
0xdd: {  	v3 =	vand.u32 $0x7, v3;
	v4 =	vand.u32 $0xFFFFFFC0, v56  }
0xde: {  	v3 =	vor.u32 v3, v4  }
0xdf: {  	v4 =	vperm.xlane v3, v0;
	_ =	sdelay $0x1  }
0xe0: {  	v4 =	vadd.s32 v1, v4;
	_ =	sdelay $0x4  }
0xe1: {  	[hbm4b:s3+s2] =	stream.indirect_vreg.scatter [tilespmem:s4], [sflag:$0x1], $0x80, v4, vm0, $0xb8;
	[tilespmem:$0x10100] =	vst v63  }
0xe2: {  	s31 =	simm.s32 $0x900;
	v3 =	vperm.xlane v3, v2  }
0xe3: {  	[hbm4b:s5+s2] =	stream.indirect_vreg.scatter [tilespmem:s31], [sflag:$0x1], $0x80, v4, vm0, $0xb8;
	[tilespmem:$0x10100] =	vst v63  }
0xe4: {  	s17 =	simm.s32 $0x1100;
	v3 =	vadd.s32 v1, v3  }
0xe5: {  	[hbm4b:s6+s2] =	stream.indirect_vreg.scatter [tilespmem:s17], [sflag:$0x1], $0x80, v4, vm0, $0xb8;
	[tilespmem:$0x10100] =	vst v63  }
0xe6: {  	s26 =	simm.s32 $0x1900  }
0xe7: {  	[hbm4b:s7+s2] =	stream.indirect_vreg.scatter [tilespmem:s26], [sflag:$0x1], $0x80, v4, vm0, $0xb8;
	[tilespmem:$0x10100] =	vst v63  }
0xe8: {  	s28 =	simm.s32 $0x2100  }
0xe9: {  	[hbm4b:s3+s2] =	stream.indirect_vreg.scatter [tilespmem:s28], [sflag:$0x1], $0x80, v3, vm0, $0xb8;
	[tilespmem:$0x10100] =	vst v63  }
0xea: {  	s29 =	simm.s32 $0x2900  }
0xeb: {  	[hbm4b:s5+s2] =	stream.indirect_vreg.scatter [tilespmem:s29], [sflag:$0x1], $0x80, v3, vm0, $0xb8;
	[tilespmem:$0x10100] =	vst v63  }
0xec: {  	s30 =	simm.s32 $0x3100  }
0xed: {  	[hbm4b:s6+s2] =	stream.indirect_vreg.scatter [tilespmem:s30], [sflag:$0x1], $0x80, v3, vm0, $0xb8;
	[tilespmem:$0x10100] =	vst v63  }
0xee: {  	s31 =	simm.s32 $0x3900  }
0xef: {  	[hbm4b:s7+s2] =	stream.indirect_vreg.scatter [tilespmem:s31], [sflag:$0x1], $0x80, v3, vm0, $0xb8;
	[tilespmem:$0x10100] =	vst v63  }
0xf0: {  	v3 =	vld [tilespmem:$0x10];
	_ =	sdelay $0x4  }
0xf1: {  	v57 =	vshll.u32 v3, $0x3  }
0xf2: {  	v3 =	vand.u32 $0x7, v3;
	v4 =	vand.u32 $0xFFFFFFC0, v57  }
0xf3: {  	v3 =	vor.u32 v3, v4  }
0xf4: {  	v4 =	vperm.xlane v3, v0;
	_ =	sdelay $0x1  }
0xf5: {  	v4 =	vadd.s32 v1, v4;
	_ =	sdelay $0x3  }
0xf6: {  	s31 =	simm.s32 $0x4100  }
0xf7: {  	[hbm4b:s3+s2] =	stream.indirect_vreg.scatter [tilespmem:s31], [sflag:$0x1], $0x80, v4, vm0, $0xb8;
	[tilespmem:$0x10100] =	vst v63  }
0xf8: {  	v3 =	vperm.xlane v3, v2;
	s31 =	simm.s32 $0x4900  }
0xf9: {  	[hbm4b:s5+s2] =	stream.indirect_vreg.scatter [tilespmem:s31], [sflag:$0x1], $0x80, v4, vm0, $0xb8;
	[tilespmem:$0x10100] =	vst v63  }
0xfa: {  	v3 =	vadd.s32 v1, v3  }
0xfb: {  	[hbm4b:s6+s2] =	stream.indirect_vreg.scatter [tilespmem:s0], [sflag:$0x1], $0x80, v4, vm0, $0xb8;
	[tilespmem:$0x10100] =	vst v63  }
0xfc: {  	_ = 	snop  }
0xfd: {  	[hbm4b:s7+s2] =	stream.indirect_vreg.scatter [tilespmem:s1], [sflag:$0x1], $0x80, v4, vm0, $0xb8;
	[tilespmem:$0x10100] =	vst v63  }
0xfe: {  	s16 =	simm.s32 $0x6100  }
0xff: {  	[hbm4b:s3+s2] =	stream.indirect_vreg.scatter [tilespmem:s16], [sflag:$0x1], $0x80, v3, vm0, $0xb8;
	[tilespmem:$0x10100] =	vst v63  }
0x100: {  	s18 =	simm.s32 $0x6900  }
0x101: {  	[hbm4b:s5+s2] =	stream.indirect_vreg.scatter [tilespmem:s18], [sflag:$0x1], $0x80, v3, vm0, $0xb8;
	[tilespmem:$0x10100] =	vst v63  }
0x102: {  	s19 =	simm.s32 $0x7100  }
0x103: {  	[hbm4b:s6+s2] =	stream.indirect_vreg.scatter [tilespmem:s19], [sflag:$0x1], $0x80, v3, vm0, $0xb8;
	[tilespmem:$0x10100] =	vst v63  }
0x104: {  	s21 =	simm.s32 $0x7900  }
0x105: {  	[hbm4b:s7+s2] =	stream.indirect_vreg.scatter [tilespmem:s21], [sflag:$0x1], $0x80, v3, vm0, $0xb8;
	[tilespmem:$0x10100] =	vst v63  }
0x106: {  	v3 =	vld [tilespmem:$0x20];
	_ =	sdelay $0x4  }
0x107: {  	v58 =	vshll.u32 v3, $0x3  }
0x108: {  	v3 =	vand.u32 $0x7, v3;
	v4 =	vand.u32 $0xFFFFFFC0, v58  }
0x109: {  	v3 =	vor.u32 v3, v4  }
0x10a: {  	v4 =	vperm.xlane v3, v0;
	_ =	sdelay $0x1  }
0x10b: {  	v4 =	vadd.s32 v1, v4;
	_ =	sdelay $0x3  }
0x10c: {  	s1 =	simm.s32 $0x8100  }
0x10d: {  	[hbm4b:s3+s2] =	stream.indirect_vreg.scatter [tilespmem:s1], [sflag:$0x1], $0x80, v4, vm0, $0xb8;
	[tilespmem:$0x10100] =	vst v63  }
0x10e: {  	s21 =	simm.s32 $0x8900;
	v3 =	vperm.xlane v3, v2  }
0x10f: {  	[hbm4b:s5+s2] =	stream.indirect_vreg.scatter [tilespmem:s21], [sflag:$0x1], $0x80, v4, vm0, $0xb8;
	[tilespmem:$0x10100] =	vst v63  }
0x110: {  	s14 =	simm.s32 $0x9100;
	v3 =	vadd.s32 v1, v3  }
0x111: {  	[hbm4b:s6+s2] =	stream.indirect_vreg.scatter [tilespmem:s14], [sflag:$0x1], $0x80, v4, vm0, $0xb8;
	[tilespmem:$0x10100] =	vst v63  }
0x112: {  	s23 =	simm.s32 $0x9900  }
0x113: {  	[hbm4b:s7+s2] =	stream.indirect_vreg.scatter [tilespmem:s23], [sflag:$0x1], $0x80, v4, vm0, $0xb8;
	[tilespmem:$0x10100] =	vst v63  }
0x114: {  	s24 =	simm.s32 $0xA100  }
0x115: {  	[hbm4b:s3+s2] =	stream.indirect_vreg.scatter [tilespmem:s24], [sflag:$0x1], $0x80, v3, vm0, $0xb8;
	[tilespmem:$0x10100] =	vst v63  }
0x116: {  	s13 =	simm.s32 $0xA900  }
0x117: {  	[hbm4b:s5+s2] =	stream.indirect_vreg.scatter [tilespmem:s13], [sflag:$0x1], $0x80, v3, vm0, $0xb8;
	[tilespmem:$0x10100] =	vst v63  }
0x118: {  	s21 =	simm.s32 $0xB100  }
0x119: {  	[hbm4b:s6+s2] =	stream.indirect_vreg.scatter [tilespmem:s21], [sflag:$0x1], $0x80, v3, vm0, $0xb8;
	[tilespmem:$0x10100] =	vst v63  }
0x11a: {  	s22 =	simm.s32 $0xB900  }
0x11b: {  	[hbm4b:s7+s2] =	stream.indirect_vreg.scatter [tilespmem:s22], [sflag:$0x1], $0x80, v3, vm0, $0xb8;
	[tilespmem:$0x10100] =	vst v63  }
0x11c: {  	v3 =	vld [tilespmem:$0x30];
	_ =	sdelay $0x4  }
0x11d: {  	v59 =	vshll.u32 v3, $0x3  }
0x11e: {  	v3 =	vand.u32 $0x7, v3;
	v4 =	vand.u32 $0xFFFFFFC0, v59  }
0x11f: {  	v3 =	vor.u32 v3, v4  }
0x120: {  	v4 =	vperm.xlane v3, v0;
	_ =	sdelay $0x1  }
0x121: {  	v4 =	vadd.s32 v1, v4;
	_ =	sdelay $0x3  }
0x122: {  	s25 =	simm.s32 $0xC100  }
0x123: {  	[hbm4b:s3+s2] =	stream.indirect_vreg.scatter [tilespmem:s25], [sflag:$0x1], $0x80, v4, vm0, $0xb8;
	[tilespmem:$0x10100] =	vst v63  }
0x124: {  	s1 =	simm.s32 $0xC900;
	v3 =	vperm.xlane v3, v2  }
0x125: {  	[hbm4b:s5+s2] =	stream.indirect_vreg.scatter [tilespmem:s1], [sflag:$0x1], $0x80, v4, vm0, $0xb8;
	[tilespmem:$0x10100] =	vst v63  }
0x126: {  	s9 =	simm.s32 $0xD100;
	v3 =	vadd.s32 v1, v3  }
0x127: {  	[hbm4b:s6+s2] =	stream.indirect_vreg.scatter [tilespmem:s9], [sflag:$0x1], $0x80, v4, vm0, $0xb8;
	[tilespmem:$0x10100] =	vst v63  }
0x128: {  	s0 =	simm.s32 $0xD900  }
0x129: {  	[hbm4b:s7+s2] =	stream.indirect_vreg.scatter [tilespmem:s0], [sflag:$0x1], $0x80, v4, vm0, $0xb8;
	[tilespmem:$0x10100] =	vst v63  }
0x12a: {  	s11 =	simm.s32 $0xE100  }
0x12b: {  	[hbm4b:s3+s2] =	stream.indirect_vreg.scatter [tilespmem:s11], [sflag:$0x1], $0x80, v3, vm0, $0xb8;
	[tilespmem:$0x10100] =	vst v63  }
0x12c: {  	s12 =	simm.s32 $0xE900  }
0x12d: {  	[hbm4b:s5+s2] =	stream.indirect_vreg.scatter [tilespmem:s12], [sflag:$0x1], $0x80, v3, vm0, $0xb8;
	[tilespmem:$0x10100] =	vst v63  }
0x12e: {  	s15 =	simm.s32 $0xF100  }
0x12f: {  	[hbm4b:s6+s2] =	stream.indirect_vreg.scatter [tilespmem:s15], [sflag:$0x1], $0x80, v3, vm0, $0xb8;
	[tilespmem:$0x10100] =	vst v63  }
0x130: {  	s1 =	simm.s32 $0xF900  }
0x131: {  	[hbm4b:s7+s2] =	stream.indirect_vreg.scatter [tilespmem:s1], [sflag:$0x1], $0x80, v3, vm0, $0xb8;
	[tilespmem:$0x10100] =	vst v63  }
0x132: {  	v3 =	vld [tilespmem:$0x80];
	_ =	sdelay $0x4  }
0x133: {  	v60 =	vshll.u32 v3, $0x3  }
0x134: {  	v3 =	vand.u32 $0x7, v3;
	v4 =	vand.u32 $0xFFFFFFC0, v60  }
0x135: {  	v3 =	vor.u32 v3, v4  }
0x136: {  	v4 =	vperm.xlane v3, v0;
	_ =	sdelay $0x1  }
0x137: {  	v4 =	vadd.s32 v1, v4;
	_ =	sdelay $0x4  }
0x138: {  	[hbm4b:s3+s2] =	stream.indirect_vreg.scatter [tilespmem:s4], [sflag:$0x1], $0x80, v4, vm0, $0xb8;
	[tilespmem:$0x10100] =	vst v63  }
0x139: {  	v3 =	vperm.xlane v3, v2;
	s4 =	simm.s32 $0x900  }
0x13a: {  	[hbm4b:s5+s2] =	stream.indirect_vreg.scatter [tilespmem:s4], [sflag:$0x1], $0x80, v4, vm0, $0xb8;
	[tilespmem:$0x10100] =	vst v63  }
0x13b: {  	s17 =	simm.s32 $0x1100;
	v3 =	vadd.s32 v1, v3  }
0x13c: {  	[hbm4b:s6+s2] =	stream.indirect_vreg.scatter [tilespmem:s17], [sflag:$0x1], $0x80, v4, vm0, $0xb8;
	[tilespmem:$0x10100] =	vst v63  }
0x13d: {  	s26 =	simm.s32 $0x1900  }
0x13e: {  	[hbm4b:s7+s2] =	stream.indirect_vreg.scatter [tilespmem:s26], [sflag:$0x1], $0x80, v4, vm0, $0xb8;
	[tilespmem:$0x10100] =	vst v63  }
0x13f: {  	s28 =	simm.s32 $0x2100  }
0x140: {  	[hbm4b:s3+s2] =	stream.indirect_vreg.scatter [tilespmem:s28], [sflag:$0x1], $0x80, v3, vm0, $0xb8;
	[tilespmem:$0x10100] =	vst v63  }
0x141: {  	s29 =	simm.s32 $0x2900  }
0x142: {  	[hbm4b:s5+s2] =	stream.indirect_vreg.scatter [tilespmem:s29], [sflag:$0x1], $0x80, v3, vm0, $0xb8;
	[tilespmem:$0x10100] =	vst v63  }
0x143: {  	s30 =	simm.s32 $0x3100  }
0x144: {  	[hbm4b:s6+s2] =	stream.indirect_vreg.scatter [tilespmem:s30], [sflag:$0x1], $0x80, v3, vm0, $0xb8;
	[tilespmem:$0x10100] =	vst v63  }
0x145: {  	s29 =	simm.s32 $0x3900  }
0x146: {  	[hbm4b:s7+s2] =	stream.indirect_vreg.scatter [tilespmem:s29], [sflag:$0x1], $0x80, v3, vm0, $0xb8;
	[tilespmem:$0x10100] =	vst v63  }
0x147: {  	v3 =	vld [tilespmem:$0x90];
	_ =	sdelay $0x4  }
0x148: {  	v61 =	vshll.u32 v3, $0x3  }
0x149: {  	v3 =	vand.u32 $0x7, v3;
	v4 =	vand.u32 $0xFFFFFFC0, v61  }
0x14a: {  	v3 =	vor.u32 v3, v4  }
0x14b: {  	v4 =	vperm.xlane v3, v0;
	_ =	sdelay $0x1  }
0x14c: {  	v4 =	vadd.s32 v1, v4;
	_ =	sdelay $0x3  }
0x14d: {  	s30 =	simm.s32 $0x4100  }
0x14e: {  	[hbm4b:s3+s2] =	stream.indirect_vreg.scatter [tilespmem:s30], [sflag:$0x1], $0x80, v4, vm0, $0xb8;
	[tilespmem:$0x10100] =	vst v63  }
0x14f: {  	s17 =	simm.s32 $0x4900;
	v3 =	vperm.xlane v3, v2  }
0x150: {  	[hbm4b:s5+s2] =	stream.indirect_vreg.scatter [tilespmem:s17], [sflag:$0x1], $0x80, v4, vm0, $0xb8;
	[tilespmem:$0x10100] =	vst v63  }
0x151: {  	s31 =	simm.s32 $0x5100;
	v3 =	vadd.s32 v1, v3  }
0x152: {  	[hbm4b:s6+s2] =	stream.indirect_vreg.scatter [tilespmem:s31], [sflag:$0x1], $0x80, v4, vm0, $0xb8;
	[tilespmem:$0x10100] =	vst v63  }
0x153: {  	s26 =	simm.s32 $0x5900  }
0x154: {  	[hbm4b:s7+s2] =	stream.indirect_vreg.scatter [tilespmem:s26], [sflag:$0x1], $0x80, v4, vm0, $0xb8;
	[tilespmem:$0x10100] =	vst v63  }
0x155: {  	s16 =	simm.s32 $0x6100  }
0x156: {  	[hbm4b:s3+s2] =	stream.indirect_vreg.scatter [tilespmem:s16], [sflag:$0x1], $0x80, v3, vm0, $0xb8;
	[tilespmem:$0x10100] =	vst v63  }
0x157: {  	s18 =	simm.s32 $0x6900  }
0x158: {  	[hbm4b:s5+s2] =	stream.indirect_vreg.scatter [tilespmem:s18], [sflag:$0x1], $0x80, v3, vm0, $0xb8;
	[tilespmem:$0x10100] =	vst v63  }
0x159: {  	s19 =	simm.s32 $0x7100  }
0x15a: {  	[hbm4b:s6+s2] =	stream.indirect_vreg.scatter [tilespmem:s19], [sflag:$0x1], $0x80, v3, vm0, $0xb8;
	[tilespmem:$0x10100] =	vst v63  }
0x15b: {  	s28 =	simm.s32 $0x7900  }
0x15c: {  	[hbm4b:s7+s2] =	stream.indirect_vreg.scatter [tilespmem:s28], [sflag:$0x1], $0x80, v3, vm0, $0xb8;
	[tilespmem:$0x10100] =	vst v63  }
0x15d: {  	v3 =	vld [tilespmem:$0xA0];
	_ =	sdelay $0x4  }
0x15e: {  	v62 =	vshll.u32 v3, $0x3  }
0x15f: {  	v3 =	vand.u32 $0x7, v3;
	v4 =	vand.u32 $0xFFFFFFC0, v62  }
0x160: {  	v3 =	vor.u32 v3, v4  }
0x161: {  	v4 =	vperm.xlane v3, v0;
	_ =	sdelay $0x1  }
0x162: {  	v4 =	vadd.s32 v1, v4;
	_ =	sdelay $0x3  }
0x163: {  	s29 =	simm.s32 $0x8100  }
0x164: {  	[hbm4b:s3+s2] =	stream.indirect_vreg.scatter [tilespmem:s29], [sflag:$0x1], $0x80, v4, vm0, $0xb8;
	[tilespmem:$0x10100] =	vst v63  }
0x165: {  	s30 =	simm.s32 $0x8900;
	v3 =	vperm.xlane v3, v2  }
0x166: {  	[hbm4b:s5+s2] =	stream.indirect_vreg.scatter [tilespmem:s30], [sflag:$0x1], $0x80, v4, vm0, $0xb8;
	[tilespmem:$0x10100] =	vst v63  }
0x167: {  	s14 =	simm.s32 $0x9100;
	v3 =	vadd.s32 v1, v3  }
0x168: {  	[hbm4b:s6+s2] =	stream.indirect_vreg.scatter [tilespmem:s14], [sflag:$0x1], $0x80, v4, vm0, $0xb8;
	[tilespmem:$0x10100] =	vst v63  }
0x169: {  	s23 =	simm.s32 $0x9900  }
0x16a: {  	[hbm4b:s7+s2] =	stream.indirect_vreg.scatter [tilespmem:s23], [sflag:$0x1], $0x80, v4, vm0, $0xb8;
	[tilespmem:$0x10100] =	vst v63  }
0x16b: {  	s24 =	simm.s32 $0xA100  }
0x16c: {  	[hbm4b:s3+s2] =	stream.indirect_vreg.scatter [tilespmem:s24], [sflag:$0x1], $0x80, v3, vm0, $0xb8;
	[tilespmem:$0x10100] =	vst v63  }
0x16d: {  	s31 =	simm.s32 $0xA900  }
0x16e: {  	[hbm4b:s5+s2] =	stream.indirect_vreg.scatter [tilespmem:s31], [sflag:$0x1], $0x80, v3, vm0, $0xb8;
	[tilespmem:$0x10100] =	vst v63  }
0x16f: {  	_ = 	snop  }
0x170: {  	[hbm4b:s6+s2] =	stream.indirect_vreg.scatter [tilespmem:s21], [sflag:$0x1], $0x80, v3, vm0, $0xb8;
	[tilespmem:$0x10100] =	vst v63  }
0x171: {  	s22 =	simm.s32 $0xB900  }
0x172: {  	[hbm4b:s7+s2] =	stream.indirect_vreg.scatter [tilespmem:s22], [sflag:$0x1], $0x80, v3, vm0, $0xb8;
	[tilespmem:$0x10100] =	vst v63  }
0x173: {  	v3 =	vld [tilespmem:$0xB0];
	_ =	sdelay $0x4  }
0x174: {  	v63 =	vshll.u32 v3, $0x3  }
0x175: {  	v3 =	vand.u32 $0x7, v3;
	v4 =	vand.u32 $0xFFFFFFC0, v63  }
0x176: {  	v3 =	vor.u32 v3, v4  }
0x177: {  	v4 =	vperm.xlane v3, v0;
	_ =	sdelay $0x1  }
0x178: {  	v4 =	vadd.s32 v1, v4;
	_ =	sdelay $0x3  }
0x179: {  	s25 =	simm.s32 $0xC100  }
0x17a: {  	[hbm4b:s3+s2] =	stream.indirect_vreg.scatter [tilespmem:s25], [sflag:$0x1], $0x80, v4, vm0, $0xb8;
	[tilespmem:$0x10100] =	vst v63  }
0x17b: {  	s13 =	simm.s32 $0xC900;
	v3 =	vperm.xlane v3, v2  }
0x17c: {  	[hbm4b:s5+s2] =	stream.indirect_vreg.scatter [tilespmem:s13], [sflag:$0x1], $0x80, v4, vm0, $0xb8;
	[tilespmem:$0x10100] =	vst v63  }
0x17d: {  	s9 =	simm.s32 $0xD100;
	v3 =	vadd.s32 v1, v3  }
0x17e: {  	[hbm4b:s6+s2] =	stream.indirect_vreg.scatter [tilespmem:s9], [sflag:$0x1], $0x80, v4, vm0, $0xb8;
	[tilespmem:$0x10100] =	vst v63  }
0x17f: {  	_ = 	snop  }
0x180: {  	[hbm4b:s7+s2] =	stream.indirect_vreg.scatter [tilespmem:s0], [sflag:$0x1], $0x80, v4, vm0, $0xb8;
	[tilespmem:$0x10100] =	vst v63  }
0x181: {  	s11 =	simm.s32 $0xE100  }
0x182: {  	[hbm4b:s3+s2] =	stream.indirect_vreg.scatter [tilespmem:s11], [sflag:$0x1], $0x80, v3, vm0, $0xb8;
	[tilespmem:$0x10100] =	vst v63  }
0x183: {  	s12 =	simm.s32 $0xE900  }
0x184: {  	[hbm4b:s5+s2] =	stream.indirect_vreg.scatter [tilespmem:s12], [sflag:$0x1], $0x80, v3, vm0, $0xb8;
	[tilespmem:$0x10100] =	vst v63  }
0x185: {  	s15 =	simm.s32 $0xF100  }
0x186: {  	[hbm4b:s6+s2] =	stream.indirect_vreg.scatter [tilespmem:s15], [sflag:$0x1], $0x80, v3, vm0, $0xb8;
	[tilespmem:$0x10100] =	vst v63  }
0x187: {  	_ = 	snop  }
0x188: {  	[hbm4b:s7+s2] =	stream.indirect_vreg.scatter [tilespmem:s1], [sflag:$0x1], $0x80, v3, vm0, $0xb8;
	[tilespmem:$0x10100] =	vst v63  }
0x189: {  	p0 =	sne.s32 s8, $0x1;
	_ =	swait.ge [sflag:s20], $0x10000  }
.Ltmp0:
0x18a: {  	[sflag:s20] =	ssyncset.done $0x0;
	(pc) =	sbr.rel @p0 .LBB2_1-.Ltmp0, $4  }
0x18b: {  	[sflag:s20] =	ssyncadd.s32 $0xFFFF0000  }
0x18c: {  	_ =	swait.ge [sflag:s20], $0x10000  }
0x18d: {  	[sflag:s20] =	ssyncset.done $0x0  }
0x18e: {  	s8 =	sadd.s32 $0xFFFFFFFF, s8;
	[sflag:s20] =	ssyncadd.s32 $0xFFFF0000  }
0x18f: {  	_ =	sfence.sel $0x180000  }
0x190: {  	[bflag:$0x0] =	sbarrier.arrive $0xFFFF  }
0x191: {  	_ =	strace $0x90000047  }
0x192: {  	s0 =	stileid.u32;
	[bflag:$0x2] =	sbarrier.arrive $0xFFFF  }
0x193: {  	p0 =	sne.s32 s0, $0x0;
	s0 =	rddreg [dreg:$0x2]  }
0x194: {  	s0 =	sadd.s32 @!p0 $0x100000, s0  }
0x195: {  	[sflag:s0] =	ssyncadd.tile.s32 @!p0 $0x1;
	_ =	shalt  }
.Lfunc_end2:
_tile_overlayer_lowered:
.L_overlay_start_2:
0x196: {  	(tag) =	ssettag $0x2  }
0x197: {  	s0 =	rddreg [dreg:$0x0];
	s2 =	stileid.u32  }
0x198: {  	s1 =	rddreg [dreg:$0x1];
	p0 =	sne.s32 s2, $0x0  }
0x199: {  	s3 =	rddreg [dreg:$0x2];
	[bflag:$0x3] =	sbarrier.arrive $0xFFFF;
	s2 =	simm.s32 @!p0 $0x1C02  }
0x19a: {  	[timem:s3], [sflag:s2] =	dma.local @!p0 [hbm:s0], s1  }
0x19b: {  	s0 =	simm.s32 @!p0 $0x2  }
0x19c: {  	_ =	swait.ge @!p0 [sflag:s0], s1  }
0x19d: {  	s1 =	ssub.s32 @!p0 $0x0, s1;
	[sflag:s0] =	ssyncset.done @!p0 $0x0  }
0x19e: {  	[sflag:s0] =	ssyncadd.s32 @!p0 s1  }
0x19f: {  	[bflag:$0x3] =	sbarrier.arrive $0xFFFF  }
0x1a0: {  	_ =	shalt  }

</sc_bundles>
